<compile_context>
chip_gen: v7x
topology: tpu7x:2x2x1
jax: 0.10.2.dev20260603
libtpu: 0.0.44.dev20260713+nightly
codegen_flags: <defaults>
</compile_context>

<pallas_src>
import functools

import jax
import jax.numpy as jnp
from jax import lax
from jax.experimental import pallas as pl
from jax.experimental.pallas import tpu as pltpu
from jax.experimental.pallas import tpu_sc as plsc

_K = 512
_N = 8 * 576 * 64
_G = 4096
_TBL_ROWS = _G // 128
_OUT_ROWS = _TBL_ROWS + 8
_NW = 32
_PER_W = _N // _NW
_VEC = 16
_UNROLL = 8


def _table_body(w_ref, b_ref, beta_ref, out_ref):
    beta = beta_ref[0]
    margin = 10.0 / beta
    lo = b_ref[0] - margin
    hi = b_ref[_K - 1] + margin
    step = (hi - lo) / (_G - 1)

    r = lax.broadcasted_iota(jnp.int32, (_TBL_ROWS, 128), 0)
    c = lax.broadcasted_iota(jnp.int32, (_TBL_ROWS, 128), 1)
    g = lo + (r * 128 + c).astype(jnp.float32) * step
    bg = beta * g

    def body(k, acc):
        for u in range(4):
            acc = acc + w_ref[k * 4 + u] * jnp.tanh(bg - beta * b_ref[k * 4 + u])
        return acc

    out_ref[pl.ds(0, _TBL_ROWS), :] = lax.fori_loop(
        0, _K // 4, body, jnp.zeros_like(g)
    )
    rows = lax.broadcasted_iota(jnp.int32, (8, 128), 0)
    out_ref[pl.ds(_TBL_ROWS, 8), :] = jnp.where(rows == 0, lo, 1.0 / step)


def _build_table(w, b, beta):
    return pl.pallas_call(
        _table_body,
        in_specs=[
            pl.BlockSpec(memory_space=pltpu.SMEM),
            pl.BlockSpec(memory_space=pltpu.SMEM),
            pl.BlockSpec(memory_space=pltpu.SMEM),
        ],
        out_shape=jax.ShapeDtypeStruct((_OUT_ROWS, 128), jnp.float32),
    )(w, b, beta)


_ROWS_W = (8 * 576) // _NW
_CHUNKS = 576 // _ROWS_W


def _sc_body(comb_hbm, x_hbm, out_hbm, tbl_v, x_v, o_v, lo_v, invh_v):
    wid = lax.axis_index("s") * 2 + lax.axis_index("c")
    d0 = wid // _CHUNKS
    r0 = (wid % _CHUNKS) * _ROWS_W

    pltpu.sync_copy(x_hbm.at[d0, pl.ds(r0, _ROWS_W), :], x_v)
    pltpu.sync_copy(comb_hbm.at[pl.ds(0, _G)], tbl_v)
    pltpu.sync_copy(comb_hbm.at[pl.ds(_G, _VEC)], lo_v)
    pltpu.sync_copy(comb_hbm.at[pl.ds(_G + 128, _VEC)], invh_v)

    lo = lo_v[...]
    invh = invh_v[...]
    gmax = jnp.full((_VEC,), float(_G - 1), jnp.float32)
    zero = jnp.zeros((_VEC,), jnp.float32)

    @plsc.parallel_loop(0, _PER_W // _VEC, unroll=_UNROLL)
    def _body(i):
        r = i // (64 // _VEC)
        c = (i % (64 // _VEC)) * _VEC
        xv = x_v[r, pl.ds(c, _VEC)]
        pos = (xv - lo) * invh
        pos = jnp.minimum(jnp.maximum(pos, zero), gmax)
        idx = pos.astype(jnp.int32)
        idx = jnp.minimum(idx, _G - 2)
        frac = pos - idx.astype(jnp.float32)
        y0 = plsc.load_gather(tbl_v, [idx])
        y1 = plsc.load_gather(tbl_v, [idx + 1])
        o_v[r, pl.ds(c, _VEC)] = y0 + frac * (y1 - y0)
    pltpu.sync_copy(o_v, out_hbm.at[d0, pl.ds(r0, _ROWS_W), :])


@functools.cache
def _make_sc_apply():
    return functools.partial(
        pl.kernel,
        mesh=plsc.VectorSubcoreMesh(core_axis_name="c", subcore_axis_name="s"),
        out_type=jax.ShapeDtypeStruct((8, 576, 64), jnp.float32),
        scratch_types=[
            pltpu.VMEM((_G,), jnp.float32),
            pltpu.VMEM((_ROWS_W, 64), jnp.float32),
            pltpu.VMEM((_ROWS_W, 64), jnp.float32),
            pltpu.VMEM((_VEC,), jnp.float32),
            pltpu.VMEM((_VEC,), jnp.float32),
        ],
        compiler_params=pltpu.CompilerParams(needs_layout_passes=False),
    )(_sc_body)


def kernel(x, w, b, beta):
    comb = _build_table(w, b, beta)
    return _make_sc_apply()(comb.reshape(_OUT_ROWS * 128), x)

# --- scband reference (transcript-rebuilt; emitter-appended) ---
"""Pipeline reference for scband-hype-entropy-model-so-s-45157286150659 (READ-ONLY COPY).

The authoritative reference and input builder live on the scoring server;
editing this copy changes nothing except your own understanding.
"""

import jax, jax.numpy as jnp
import numpy as np

B, HW, CD, K = 8, 576, 64, 512


def setup_inputs(seed: int = 0) -> dict:
    key = jax.random.key(seed)
    k1, k2, k3 = jax.random.split(key, 3)
    x = jax.random.normal(k1, (B, HW, CD), dtype=jnp.float32)
    # STanH (sum-of-tanh) learned quantizer parameters: per-level weights w,
    # sorted bias locations b, and annealing temperature beta.
    w = jax.random.uniform(k2, (K,), dtype=jnp.float32, minval=0.01, maxval=0.1)
    b = jnp.sort(jax.random.normal(k3, (K,), dtype=jnp.float32) * 2.0)
    beta = jnp.array([10.0], dtype=jnp.float32)
    return {"x": x, "w": w, "b": b, "beta": beta}


def _stanh(x, w, b, beta):
    # y = sum_k w_k * tanh(beta * (x - b_k)); computed with a scan over the
    # K levels to avoid materializing the [numel, K] broadcast.
    def body(acc, wb):
        wi, bi = wb
        return acc + wi * jnp.tanh(beta[0] * (x - bi)), None
    acc, _ = jax.lax.scan(body, jnp.zeros_like(x), (w, b))
    return acc


def reference(x, w, b, beta):
    # Faithful to HypeEntropyModelSoS.quantize(inputs, mode='training', means=None):
    # define_permutation swaps dims 0 and 1, reshape to (1,1,-1), apply stanh,
    # reshape back, inverse-permute.
    perm = (1, 0, 2)
    inv_perm = (1, 0, 2)
    xt = jnp.transpose(x, perm)
    shape = xt.shape
    flat = xt.reshape(1, 1, -1)
    out = _stanh(flat, w, b, beta)
    out = out.reshape(shape)
    out = jnp.transpose(out, inv_perm)
    return out

if __name__ == "__main__":
    import jax
    _d = setup_inputs()
    print(jax.jit(kernel)(*tuple(_d.values())))

</pallas_src>

<mosaic_0001>
#map = affine_map<(d0, d1) -> (0)>
#map1 = affine_map<(d0, d1) -> (0, 0, 0)>
module attributes {stable_mosaic.version = 14 : i64} {
  func.func @_sc_body(%arg0: i32, %arg1: i32, %arg2: memref<5120xf32, #tpu.memory_space<hbm>>, %arg3: memref<8x576x64xf32, #tpu.memory_space<hbm>>, %arg4: memref<8x576x64xf32, #tpu.memory_space<hbm>>, %arg5: memref<4096xf32, #tpu.memory_space<vmem>>, %arg6: memref<144x64xf32, #tpu.memory_space<vmem>>, %arg7: memref<144x64xf32, #tpu.memory_space<vmem>>, %arg8: memref<16xf32, #tpu.memory_space<vmem>>, %arg9: memref<16xf32, #tpu.memory_space<vmem>>) attributes {dimension_semantics = [#tpu.dimension_semantics<core_parallel>, #tpu.dimension_semantics<subcore_parallel>], iteration_bounds = array<i64: 2, 16>, scalar_prefetch = 0 : i64, scratch_operands = 5 : i64, tpu.core_type = #tpu.core_type<sc_vector_subcore>, window_params = [{transform_indices = #map}, {transform_indices = #map1}, {transform_indices = #map1}]} {
    %mul3A = arith.constant 2 : i32
    %mul3A_0 = arith.muli %arg1, %mul3A : i32
    %add3A = arith.addi %mul3A_0, %arg0 : i32
    %jit3A = arith.constant 4 : i32
    %div3A = arith.divsi %add3A, %jit3A : i32
    %sign3A = arith.constant 0 : i32
    %sign3A_1 = arith.cmpi sgt, %add3A, %sign3A : i32
    %sign3A_2 = arith.extui %sign3A_1 : i1 to i32
    %sign3A_3 = arith.constant 0 : i32
    %sign3A_4 = arith.cmpi slt, %add3A, %sign3A_3 : i32
    %sign3A_5 = arith.extui %sign3A_4 : i1 to i32
    %sign3A_6 = arith.subi %sign3A_2, %sign3A_5 : i32
    %sign3A_7 = arith.constant 0 : i32
    %sign3A_8 = arith.cmpi sgt, %jit3A, %sign3A_7 : i32
    %sign3A_9 = arith.extui %sign3A_8 : i1 to i32
    %sign3A_10 = arith.constant 0 : i32
    %sign3A_11 = arith.cmpi slt, %jit3A, %sign3A_10 : i32
    %sign3A_12 = arith.extui %sign3A_11 : i1 to i32
    %sign3A_13 = arith.subi %sign3A_9, %sign3A_12 : i32
    %ne3A = arith.cmpi ne, %sign3A_6, %sign3A_13 : i32
    %rem3A = arith.remsi %add3A, %jit3A : i32
    %ne3A_14 = arith.constant 0 : i32
    %ne3A_15 = arith.cmpi ne, %rem3A, %ne3A_14 : i32
    %and3A = arith.andi %ne3A, %ne3A_15 : i1
    %sub3A = arith.constant 1 : i32
    %sub3A_16 = arith.subi %div3A, %sub3A : i32
    %select_n3A = arith.select %and3A, %sub3A_16, %div3A : i32
    %jit3A_17 = arith.constant 4 : i32
    %eq3A = arith.constant 0 : i32
    %eq3A_18 = arith.cmpi eq, %jit3A_17, %eq3A : i32
    %jit3A_19 = arith.constant 1 : i32
    %select_n3A_20 = arith.select %eq3A_18, %jit3A_19, %jit3A_17 : i32
    %rem3A_21 = arith.remsi %add3A, %select_n3A_20 : i32
    %ne3A_22 = arith.constant 0 : i32
    %ne3A_23 = arith.cmpi ne, %rem3A_21, %ne3A_22 : i32
    %lt3A = arith.constant 0 : i32
    %lt3A_24 = arith.cmpi slt, %rem3A_21, %lt3A : i32
    %lt3A_25 = arith.constant 0 : i32
    %lt3A_26 = arith.cmpi slt, %select_n3A_20, %lt3A_25 : i32
    %ne3A_27 = arith.xori %lt3A_24, %lt3A_26 : i1
    %and3A_28 = arith.andi %ne3A_27, %ne3A_23 : i1
    %add3A_29 = arith.addi %rem3A_21, %select_n3A_20 : i32
    %select_n3A_30 = arith.select %and3A_28, %add3A_29, %rem3A_21 : i32
    %mul3A_31 = arith.constant 144 : i32
    %mul3A_32 = arith.muli %select_n3A_30, %mul3A_31 : i32
    "tpu.region"() ({
      %run_scoped3A = tpu.sem_alloc : memref<!tpu.dma_semaphore, #tpu.memory_space<semaphore_mem>>
      %dma_start3A = arith.constant 0 : i32
      %dma_start3A_41 = tpu.memref_slice %arg3[%select_n3A, %mul3A_32, %dma_start3A] : memref<8x576x64xf32, #tpu.memory_space<hbm>> -> memref<1x144x64xf32, #tpu.memory_space<hbm>>
      %dma_start3A_42 = tpu.memref_squeeze %dma_start3A_41 : memref<1x144x64xf32, #tpu.memory_space<hbm>> -> memref<144x64xf32, #tpu.memory_space<hbm>>
      %dma_start3A_43 = arith.constant 0 : i32
      %dma_start3A_44 = tpu.memref_slice %arg3[%select_n3A, %mul3A_32, %dma_start3A_43] : memref<8x576x64xf32, #tpu.memory_space<hbm>> -> memref<1x144x64xf32, #tpu.memory_space<hbm>>
      %dma_start3A_45 = tpu.memref_squeeze %dma_start3A_44 : memref<1x144x64xf32, #tpu.memory_space<hbm>> -> memref<144x64xf32, #tpu.memory_space<hbm>>
      tpu.enqueue_dma source(%dma_start3A_45 : memref<144x64xf32, #tpu.memory_space<hbm>>) target(%arg6 : memref<144x64xf32, #tpu.memory_space<vmem>>) target_semaphore(%run_scoped3A : memref<!tpu.dma_semaphore, #tpu.memory_space<semaphore_mem>>)
      %dma_wait3A = arith.constant 0 : i32
      %dma_wait3A_46 = tpu.memref_slice %arg3[%select_n3A, %mul3A_32, %dma_wait3A] : memref<8x576x64xf32, #tpu.memory_space<hbm>> -> memref<1x144x64xf32, #tpu.memory_space<hbm>>
      %dma_wait3A_47 = tpu.memref_squeeze %dma_wait3A_46 : memref<1x144x64xf32, #tpu.memory_space<hbm>> -> memref<144x64xf32, #tpu.memory_space<hbm>>
      %dma_wait3A_48 = arith.constant 0 : i32
      %dma_wait3A_49 = tpu.memref_slice %arg3[%select_n3A, %mul3A_32, %dma_wait3A_48] : memref<8x576x64xf32, #tpu.memory_space<hbm>> -> memref<1x144x64xf32, #tpu.memory_space<hbm>>
      %dma_wait3A_50 = tpu.memref_squeeze %dma_wait3A_49 : memref<1x144x64xf32, #tpu.memory_space<hbm>> -> memref<144x64xf32, #tpu.memory_space<hbm>>
      tpu.wait_dma2 semaphore(%run_scoped3A : memref<!tpu.dma_semaphore, #tpu.memory_space<semaphore_mem>>) src(%dma_wait3A_50 : memref<144x64xf32, #tpu.memory_space<hbm>>) dst(%arg6 : memref<144x64xf32, #tpu.memory_space<vmem>>)
      tpu.yield
    }) : () -> ()
    "tpu.region"() ({
      %run_scoped3A = tpu.sem_alloc : memref<!tpu.dma_semaphore, #tpu.memory_space<semaphore_mem>>
      %dma_start3A = arith.constant 0 : i32
      %dma_start3A_41 = tpu.memref_slice %arg2[%dma_start3A] : memref<5120xf32, #tpu.memory_space<hbm>> -> memref<4096xf32, #tpu.memory_space<hbm>>
      %dma_start3A_42 = arith.constant 0 : i32
      %dma_start3A_43 = tpu.memref_slice %arg2[%dma_start3A_42] : memref<5120xf32, #tpu.memory_space<hbm>> -> memref<4096xf32, #tpu.memory_space<hbm>>
      tpu.enqueue_dma source(%dma_start3A_43 : memref<4096xf32, #tpu.memory_space<hbm>>) target(%arg5 : memref<4096xf32, #tpu.memory_space<vmem>>) target_semaphore(%run_scoped3A : memref<!tpu.dma_semaphore, #tpu.memory_space<semaphore_mem>>)
      %dma_wait3A = arith.constant 0 : i32
      %dma_wait3A_44 = tpu.memref_slice %arg2[%dma_wait3A] : memref<5120xf32, #tpu.memory_space<hbm>> -> memref<4096xf32, #tpu.memory_space<hbm>>
      %dma_wait3A_45 = arith.constant 0 : i32
      %dma_wait3A_46 = tpu.memref_slice %arg2[%dma_wait3A_45] : memref<5120xf32, #tpu.memory_space<hbm>> -> memref<4096xf32, #tpu.memory_space<hbm>>
      tpu.wait_dma2 semaphore(%run_scoped3A : memref<!tpu.dma_semaphore, #tpu.memory_space<semaphore_mem>>) src(%dma_wait3A_46 : memref<4096xf32, #tpu.memory_space<hbm>>) dst(%arg5 : memref<4096xf32, #tpu.memory_space<vmem>>)
      tpu.yield
    }) : () -> ()
    "tpu.region"() ({
      %run_scoped3A = tpu.sem_alloc : memref<!tpu.dma_semaphore, #tpu.memory_space<semaphore_mem>>
      %dma_start3A = arith.constant 4096 : i32
      %dma_start3A_41 = tpu.memref_slice %arg2[%dma_start3A] : memref<5120xf32, #tpu.memory_space<hbm>> -> memref<16xf32, #tpu.memory_space<hbm>>
      %dma_start3A_42 = arith.constant 4096 : i32
      %dma_start3A_43 = tpu.memref_slice %arg2[%dma_start3A_42] : memref<5120xf32, #tpu.memory_space<hbm>> -> memref<16xf32, #tpu.memory_space<hbm>>
      tpu.enqueue_dma source(%dma_start3A_43 : memref<16xf32, #tpu.memory_space<hbm>>) target(%arg8 : memref<16xf32, #tpu.memory_space<vmem>>) target_semaphore(%run_scoped3A : memref<!tpu.dma_semaphore, #tpu.memory_space<semaphore_mem>>)
      %dma_wait3A = arith.constant 4096 : i32
      %dma_wait3A_44 = tpu.memref_slice %arg2[%dma_wait3A] : memref<5120xf32, #tpu.memory_space<hbm>> -> memref<16xf32, #tpu.memory_space<hbm>>
      %dma_wait3A_45 = arith.constant 4096 : i32
      %dma_wait3A_46 = tpu.memref_slice %arg2[%dma_wait3A_45] : memref<5120xf32, #tpu.memory_space<hbm>> -> memref<16xf32, #tpu.memory_space<hbm>>
      tpu.wait_dma2 semaphore(%run_scoped3A : memref<!tpu.dma_semaphore, #tpu.memory_space<semaphore_mem>>) src(%dma_wait3A_46 : memref<16xf32, #tpu.memory_space<hbm>>) dst(%arg8 : memref<16xf32, #tpu.memory_space<vmem>>)
      tpu.yield
    }) : () -> ()
    "tpu.region"() ({
      %run_scoped3A = tpu.sem_alloc : memref<!tpu.dma_semaphore, #tpu.memory_space<semaphore_mem>>
      %dma_start3A = arith.constant 4224 : i32
      %dma_start3A_41 = tpu.memref_slice %arg2[%dma_start3A] : memref<5120xf32, #tpu.memory_space<hbm>> -> memref<16xf32, #tpu.memory_space<hbm>>
      %dma_start3A_42 = arith.constant 4224 : i32
      %dma_start3A_43 = tpu.memref_slice %arg2[%dma_start3A_42] : memref<5120xf32, #tpu.memory_space<hbm>> -> memref<16xf32, #tpu.memory_space<hbm>>
      tpu.enqueue_dma source(%dma_start3A_43 : memref<16xf32, #tpu.memory_space<hbm>>) target(%arg9 : memref<16xf32, #tpu.memory_space<vmem>>) target_semaphore(%run_scoped3A : memref<!tpu.dma_semaphore, #tpu.memory_space<semaphore_mem>>)
      %dma_wait3A = arith.constant 4224 : i32
      %dma_wait3A_44 = tpu.memref_slice %arg2[%dma_wait3A] : memref<5120xf32, #tpu.memory_space<hbm>> -> memref<16xf32, #tpu.memory_space<hbm>>
      %dma_wait3A_45 = arith.constant 4224 : i32
      %dma_wait3A_46 = tpu.memref_slice %arg2[%dma_wait3A_45] : memref<5120xf32, #tpu.memory_space<hbm>> -> memref<16xf32, #tpu.memory_space<hbm>>
      tpu.wait_dma2 semaphore(%run_scoped3A : memref<!tpu.dma_semaphore, #tpu.memory_space<semaphore_mem>>) src(%dma_wait3A_46 : memref<16xf32, #tpu.memory_space<hbm>>) dst(%arg9 : memref<16xf32, #tpu.memory_space<vmem>>)
      tpu.yield
    }) : () -> ()
    %get3A = arith.constant 0 : index
    %get3A_33 = tpu.vector_load %arg8[%get3A] {strides = array<i32>} : memref<16xf32, #tpu.memory_space<vmem>>, vector<16xf32>,
    %get3A_34 = arith.constant 0 : index
    %get3A_35 = tpu.vector_load %arg9[%get3A_34] {strides = array<i32>} : memref<16xf32, #tpu.memory_space<vmem>>, vector<16xf32>,
    %broadcast_in_dim3A = arith.constant 4.095000e+03 : f32
    %broadcast_in_dim3A_36 = vector.broadcast %broadcast_in_dim3A : f32 to vector<16xf32>
    %broadcast_in_dim3A_37 = arith.constant 0.000000e+00 : f32
    %broadcast_in_dim3A_38 = vector.broadcast %broadcast_in_dim3A_37 : f32 to vector<16xf32>
    %parallel_loop3A = arith.constant 0 : i32
    %parallel_loop3A_39 = arith.constant 576 : i32
    %parallel_loop3A_40 = arith.constant 1 : i32
    scf.for %parallel_loop3A_41 = %parallel_loop3A to %parallel_loop3A_39 step %parallel_loop3A_40  : i32 {
      %parallel_loop3A_42 = arith.constant 4 : i32
      %parallel_loop3A_43 = arith.divsi %parallel_loop3A_41, %parallel_loop3A_42 : i32
      %parallel_loop3A_44 = arith.constant 0 : i32
      %parallel_loop3A_45 = arith.cmpi sgt, %parallel_loop3A_41, %parallel_loop3A_44 : i32
      %parallel_loop3A_46 = arith.extui %parallel_loop3A_45 : i1 to i32
      %parallel_loop3A_47 = arith.constant 0 : i32
      %parallel_loop3A_48 = arith.cmpi slt, %parallel_loop3A_41, %parallel_loop3A_47 : i32
      %parallel_loop3A_49 = arith.extui %parallel_loop3A_48 : i1 to i32
      %parallel_loop3A_50 = arith.subi %parallel_loop3A_46, %parallel_loop3A_49 : i32
      %parallel_loop3A_51 = arith.constant 0 : i32
      %parallel_loop3A_52 = arith.cmpi sgt, %parallel_loop3A_42, %parallel_loop3A_51 : i32
      %parallel_loop3A_53 = arith.extui %parallel_loop3A_52 : i1 to i32
      %parallel_loop3A_54 = arith.constant 0 : i32
      %parallel_loop3A_55 = arith.cmpi slt, %parallel_loop3A_42, %parallel_loop3A_54 : i32
      %parallel_loop3A_56 = arith.extui %parallel_loop3A_55 : i1 to i32
      %parallel_loop3A_57 = arith.subi %parallel_loop3A_53, %parallel_loop3A_56 : i32
      %parallel_loop3A_58 = arith.cmpi ne, %parallel_loop3A_50, %parallel_loop3A_57 : i32
      %parallel_loop3A_59 = arith.remsi %parallel_loop3A_41, %parallel_loop3A_42 : i32
      %parallel_loop3A_60 = arith.constant 0 : i32
      %parallel_loop3A_61 = arith.cmpi ne, %parallel_loop3A_59, %parallel_loop3A_60 : i32
      %parallel_loop3A_62 = arith.andi %parallel_loop3A_58, %parallel_loop3A_61 : i1
      %parallel_loop3A_63 = arith.constant 1 : i32
      %parallel_loop3A_64 = arith.subi %parallel_loop3A_43, %parallel_loop3A_63 : i32
      %parallel_loop3A_65 = arith.select %parallel_loop3A_62, %parallel_loop3A_64, %parallel_loop3A_43 : i32
      %parallel_loop3A_66 = arith.constant 4 : i32
      %parallel_loop3A_67 = arith.constant 0 : i32
      %parallel_loop3A_68 = arith.cmpi eq, %parallel_loop3A_66, %parallel_loop3A_67 : i32
      %parallel_loop3A_69 = arith.constant 1 : i32
      %parallel_loop3A_70 = arith.select %parallel_loop3A_68, %parallel_loop3A_69, %parallel_loop3A_66 : i32
      %parallel_loop3A_71 = arith.remsi %parallel_loop3A_41, %parallel_loop3A_70 : i32
      %parallel_loop3A_72 = arith.constant 0 : i32
      %parallel_loop3A_73 = arith.cmpi ne, %parallel_loop3A_71, %parallel_loop3A_72 : i32
      %parallel_loop3A_74 = arith.constant 0 : i32
      %parallel_loop3A_75 = arith.cmpi slt, %parallel_loop3A_71, %parallel_loop3A_74 : i32
      %parallel_loop3A_76 = arith.constant 0 : i32
      %parallel_loop3A_77 = arith.cmpi slt, %parallel_loop3A_70, %parallel_loop3A_76 : i32
      %parallel_loop3A_78 = arith.xori %parallel_loop3A_75, %parallel_loop3A_77 : i1
      %parallel_loop3A_79 = arith.andi %parallel_loop3A_78, %parallel_loop3A_73 : i1
      %parallel_loop3A_80 = arith.addi %parallel_loop3A_71, %parallel_loop3A_70 : i32
      %parallel_loop3A_81 = arith.select %parallel_loop3A_79, %parallel_loop3A_80, %parallel_loop3A_71 : i32
      %parallel_loop3A_82 = arith.constant 16 : i32
      %parallel_loop3A_83 = arith.muli %parallel_loop3A_81, %parallel_loop3A_82 : i32
      %parallel_loop3A_84 = arith.index_cast %parallel_loop3A_65 : i32 to index
      %parallel_loop3A_85 = arith.index_cast %parallel_loop3A_83 : i32 to index
      %parallel_loop3A_86 = tpu.vector_load %arg6[%parallel_loop3A_84, %parallel_loop3A_85] {strides = array<i32>} : memref<144x64xf32, #tpu.memory_space<vmem>>, vector<16xf32>,
      %parallel_loop3A_87 = arith.subf %parallel_loop3A_86, %get3A_33 : vector<16xf32>
      %parallel_loop3A_88 = arith.mulf %parallel_loop3A_87, %get3A_35 : vector<16xf32>
      %parallel_loop3A_89 = arith.maximumf %parallel_loop3A_88, %broadcast_in_dim3A_38 : vector<16xf32>
      %parallel_loop3A_90 = arith.minimumf %parallel_loop3A_89, %broadcast_in_dim3A_36 : vector<16xf32>
      %parallel_loop3A_91 = arith.fptosi %parallel_loop3A_90 : vector<16xf32> to vector<16xi32>
      %parallel_loop3A_92 = arith.constant 4094 : i32
      %parallel_loop3A_93 = vector.broadcast %parallel_loop3A_92 : i32 to vector<16xi32>
      %parallel_loop3A_94 = arith.minsi %parallel_loop3A_91, %parallel_loop3A_93 : vector<16xi32>
      %parallel_loop3A_95 = arith.sitofp %parallel_loop3A_94 : vector<16xi32> to vector<16xf32>
      %parallel_loop3A_96 = arith.subf %parallel_loop3A_90, %parallel_loop3A_95 : vector<16xf32>
      %parallel_loop3A_97 = tpu.vector_load_idx %arg5[%parallel_loop3A_94] : memref<4096xf32, #tpu.memory_space<vmem>>[vector<16xi32>], vector<16xf32>,
      %parallel_loop3A_98 = arith.constant 1 : i32
      %parallel_loop3A_99 = vector.broadcast %parallel_loop3A_98 : i32 to vector<16xi32>
      %parallel_loop3A_100 = arith.addi %parallel_loop3A_94, %parallel_loop3A_99 : vector<16xi32>
      %parallel_loop3A_101 = tpu.vector_load_idx %arg5[%parallel_loop3A_100] : memref<4096xf32, #tpu.memory_space<vmem>>[vector<16xi32>], vector<16xf32>,
      %parallel_loop3A_102 = arith.subf %parallel_loop3A_101, %parallel_loop3A_97 : vector<16xf32>
      %parallel_loop3A_103 = arith.mulf %parallel_loop3A_96, %parallel_loop3A_102 : vector<16xf32>
      %parallel_loop3A_104 = arith.addf %parallel_loop3A_97, %parallel_loop3A_103 : vector<16xf32>
      %parallel_loop3A_105 = arith.index_cast %parallel_loop3A_65 : i32 to index
      %parallel_loop3A_106 = arith.index_cast %parallel_loop3A_83 : i32 to index
      %parallel_loop3A_107 = tpu.vector_load %arg7[%parallel_loop3A_105, %parallel_loop3A_106] {strides = array<i32>} : memref<144x64xf32, #tpu.memory_space<vmem>>, vector<16xf32>,
      tpu.vector_store %arg7[%parallel_loop3A_105, %parallel_loop3A_106], %parallel_loop3A_104 {strides = array<i32>} : memref<144x64xf32, #tpu.memory_space<vmem>>, vector<16xf32>,
    } {sc.loop_unroll_factor = 8 : i64, sc.parallel_access}
    "tpu.region"() ({
      %run_scoped3A = tpu.sem_alloc : memref<!tpu.dma_semaphore, #tpu.memory_space<semaphore_mem>>
      %dma_start3A = arith.constant 0 : i32
      %dma_start3A_41 = tpu.memref_slice %arg4[%select_n3A, %mul3A_32, %dma_start3A] : memref<8x576x64xf32, #tpu.memory_space<hbm>> -> memref<1x144x64xf32, #tpu.memory_space<hbm>>
      %dma_start3A_42 = tpu.memref_squeeze %dma_start3A_41 : memref<1x144x64xf32, #tpu.memory_space<hbm>> -> memref<144x64xf32, #tpu.memory_space<hbm>>
      %dma_start3A_43 = arith.constant 0 : i32
      %dma_start3A_44 = tpu.memref_slice %arg4[%select_n3A, %mul3A_32, %dma_start3A_43] : memref<8x576x64xf32, #tpu.memory_space<hbm>> -> memref<1x144x64xf32, #tpu.memory_space<hbm>>
      %dma_start3A_45 = tpu.memref_squeeze %dma_start3A_44 : memref<1x144x64xf32, #tpu.memory_space<hbm>> -> memref<144x64xf32, #tpu.memory_space<hbm>>
      tpu.enqueue_dma source(%arg7 : memref<144x64xf32, #tpu.memory_space<vmem>>) target(%dma_start3A_45 : memref<144x64xf32, #tpu.memory_space<hbm>>) target_semaphore(%run_scoped3A : memref<!tpu.dma_semaphore, #tpu.memory_space<semaphore_mem>>)
      %dma_wait3A = arith.constant 0 : i32
      %dma_wait3A_46 = tpu.memref_slice %arg4[%select_n3A, %mul3A_32, %dma_wait3A] : memref<8x576x64xf32, #tpu.memory_space<hbm>> -> memref<1x144x64xf32, #tpu.memory_space<hbm>>
      %dma_wait3A_47 = tpu.memref_squeeze %dma_wait3A_46 : memref<1x144x64xf32, #tpu.memory_space<hbm>> -> memref<144x64xf32, #tpu.memory_space<hbm>>
      %dma_wait3A_48 = arith.constant 0 : i32
      %dma_wait3A_49 = tpu.memref_slice %arg4[%select_n3A, %mul3A_32, %dma_wait3A_48] : memref<8x576x64xf32, #tpu.memory_space<hbm>> -> memref<1x144x64xf32, #tpu.memory_space<hbm>>
      %dma_wait3A_50 = tpu.memref_squeeze %dma_wait3A_49 : memref<1x144x64xf32, #tpu.memory_space<hbm>> -> memref<144x64xf32, #tpu.memory_space<hbm>>
      tpu.wait_dma2 semaphore(%run_scoped3A : memref<!tpu.dma_semaphore, #tpu.memory_space<semaphore_mem>>) src(%arg7 : memref<144x64xf32, #tpu.memory_space<vmem>>) dst(%dma_wait3A_50 : memref<144x64xf32, #tpu.memory_space<hbm>>)
      tpu.yield
    }) : () -> ()
    return
  }
}

module attributes {stable_mosaic.version = 14 : i64} {
  func.func @_table_body(%arg0: memref<512xf32, #tpu.memory_space<smem>>, %arg1: memref<512xf32, #tpu.memory_space<smem>>, %arg2: memref<1xf32, #tpu.memory_space<smem>>, %arg3: memref<40x128xf32, #tpu.memory_space<vmem>>) attributes {dimension_semantics = [], scalar_prefetch = 0 : i64, scratch_operands = 0 : i64, tpu.core_type = #tpu.core_type<tc>} {
    %get3A = arith.constant 0 : index
    %get3A_0 = memref.load %arg2[%get3A] : memref<1xf32, #tpu.memory_space<smem>>
    %div3A = arith.constant 1.000000e+01 : f32
    %div3A_1 = arith.divf %div3A, %get3A_0 : f32
    %get3A_2 = arith.constant 0 : index
    %get3A_3 = memref.load %arg1[%get3A_2] : memref<512xf32, #tpu.memory_space<smem>>
    %sub3A = arith.subf %get3A_3, %div3A_1 : f32
    %get3A_4 = arith.constant 511 : index
    %get3A_5 = memref.load %arg1[%get3A_4] : memref<512xf32, #tpu.memory_space<smem>>
    %add3A = arith.addf %get3A_5, %div3A_1 : f32
    %sub3A_6 = arith.subf %add3A, %sub3A : f32
    %div3A_7 = arith.constant 4.095000e+03 : f32
    %div3A_8 = arith.divf %sub3A_6, %div3A_7 : f32
    %iota3A = tpu.iota {dimensions = array<i32: 0>} : vector<32x128xi32>
    %iota3A_9 = tpu.iota {dimensions = array<i32: 1>} : vector<32x128xi32>
    %mul3A = arith.constant 128 : i32
    %mul3A_10 = vector.broadcast %mul3A : i32 to vector<32x128xi32>
    %mul3A_11 = arith.muli %iota3A, %mul3A_10 : vector<32x128xi32>
    %add3A_12 = arith.addi %mul3A_11, %iota3A_9 : vector<32x128xi32>
    %convert_element_type3A = arith.sitofp %add3A_12 : vector<32x128xi32> to vector<32x128xf32>
    %mul3A_13 = vector.broadcast %div3A_8 : f32 to vector<32x128xf32>
    %mul3A_14 = arith.mulf %convert_element_type3A, %mul3A_13 : vector<32x128xf32>
    %add3A_15 = vector.broadcast %sub3A : f32 to vector<32x128xf32>
    %add3A_16 = arith.addf %add3A_15, %mul3A_14 : vector<32x128xf32>
    %mul3A_17 = vector.broadcast %get3A_0 : f32 to vector<32x128xf32>
    %mul3A_18 = arith.mulf %mul3A_17, %add3A_16 : vector<32x128xf32>
    %broadcast_in_dim3A = arith.constant 0.000000e+00 : f32
    %broadcast_in_dim3A_19 = vector.broadcast %broadcast_in_dim3A : f32 to vector<32x128xf32>
    %scan3A = arith.constant 0 : i32
    %scan3A_20 = arith.constant 128 : i32
    %scan3A_21 = arith.addi %scan3A, %scan3A_20 : i32
    %scan3A_22 = arith.constant 1 : i32
    %scan3A_23 = scf.for %scan3A_37 = %scan3A to %scan3A_21 step %scan3A_22 iter_args(%scan3A_38 = %broadcast_in_dim3A_19) -> (vector<32x128xf32>)  : i32 {
      %mul3A_39 = arith.constant 4 : i32
      %mul3A_40 = arith.muli %scan3A_37, %mul3A_39 : i32
      %add3A_41 = arith.constant 0 : i32
      %add3A_42 = arith.addi %mul3A_40, %add3A_41 : i32
      %get3A_43 = arith.index_cast %add3A_42 : i32 to index
      %get3A_44 = memref.load %arg0[%get3A_43] : memref<512xf32, #tpu.memory_space<smem>>
      %mul3A_45 = arith.constant 4 : i32
      %mul3A_46 = arith.muli %scan3A_37, %mul3A_45 : i32
      %add3A_47 = arith.constant 0 : i32
      %add3A_48 = arith.addi %mul3A_46, %add3A_47 : i32
      %get3A_49 = arith.index_cast %add3A_48 : i32 to index
      %get3A_50 = memref.load %arg1[%get3A_49] : memref<512xf32, #tpu.memory_space<smem>>
      %mul3A_51 = arith.mulf %get3A_0, %get3A_50 : f32
      %sub3A_52 = vector.broadcast %mul3A_51 : f32 to vector<32x128xf32>
      %sub3A_53 = arith.subf %mul3A_18, %sub3A_52 : vector<32x128xf32>
      %tanh3A = math.tanh %sub3A_53 : vector<32x128xf32>
      %mul3A_54 = vector.broadcast %get3A_44 : f32 to vector<32x128xf32>
      %mul3A_55 = arith.mulf %mul3A_54, %tanh3A : vector<32x128xf32>
      %add3A_56 = arith.addf %scan3A_38, %mul3A_55 : vector<32x128xf32>
      %mul3A_57 = arith.constant 4 : i32
      %mul3A_58 = arith.muli %scan3A_37, %mul3A_57 : i32
      %add3A_59 = arith.constant 1 : i32
      %add3A_60 = arith.addi %mul3A_58, %add3A_59 : i32
      %get3A_61 = arith.index_cast %add3A_60 : i32 to index
      %get3A_62 = memref.load %arg0[%get3A_61] : memref<512xf32, #tpu.memory_space<smem>>
      %mul3A_63 = arith.constant 4 : i32
      %mul3A_64 = arith.muli %scan3A_37, %mul3A_63 : i32
      %add3A_65 = arith.constant 1 : i32
      %add3A_66 = arith.addi %mul3A_64, %add3A_65 : i32
      %get3A_67 = arith.index_cast %add3A_66 : i32 to index
      %get3A_68 = memref.load %arg1[%get3A_67] : memref<512xf32, #tpu.memory_space<smem>>
      %mul3A_69 = arith.mulf %get3A_0, %get3A_68 : f32
      %sub3A_70 = vector.broadcast %mul3A_69 : f32 to vector<32x128xf32>
      %sub3A_71 = arith.subf %mul3A_18, %sub3A_70 : vector<32x128xf32>
      %tanh3A_72 = math.tanh %sub3A_71 : vector<32x128xf32>
      %mul3A_73 = vector.broadcast %get3A_62 : f32 to vector<32x128xf32>
      %mul3A_74 = arith.mulf %mul3A_73, %tanh3A_72 : vector<32x128xf32>
      %add3A_75 = arith.addf %add3A_56, %mul3A_74 : vector<32x128xf32>
      %mul3A_76 = arith.constant 4 : i32
      %mul3A_77 = arith.muli %scan3A_37, %mul3A_76 : i32
      %add3A_78 = arith.constant 2 : i32
      %add3A_79 = arith.addi %mul3A_77, %add3A_78 : i32
      %get3A_80 = arith.index_cast %add3A_79 : i32 to index
      %get3A_81 = memref.load %arg0[%get3A_80] : memref<512xf32, #tpu.memory_space<smem>>
      %mul3A_82 = arith.constant 4 : i32
      %mul3A_83 = arith.muli %scan3A_37, %mul3A_82 : i32
      %add3A_84 = arith.constant 2 : i32
      %add3A_85 = arith.addi %mul3A_83, %add3A_84 : i32
      %get3A_86 = arith.index_cast %add3A_85 : i32 to index
      %get3A_87 = memref.load %arg1[%get3A_86] : memref<512xf32, #tpu.memory_space<smem>>
      %mul3A_88 = arith.mulf %get3A_0, %get3A_87 : f32
      %sub3A_89 = vector.broadcast %mul3A_88 : f32 to vector<32x128xf32>
      %sub3A_90 = arith.subf %mul3A_18, %sub3A_89 : vector<32x128xf32>
      %tanh3A_91 = math.tanh %sub3A_90 : vector<32x128xf32>
      %mul3A_92 = vector.broadcast %get3A_81 : f32 to vector<32x128xf32>
      %mul3A_93 = arith.mulf %mul3A_92, %tanh3A_91 : vector<32x128xf32>
      %add3A_94 = arith.addf %add3A_75, %mul3A_93 : vector<32x128xf32>
      %mul3A_95 = arith.constant 4 : i32
      %mul3A_96 = arith.muli %scan3A_37, %mul3A_95 : i32
      %add3A_97 = arith.constant 3 : i32
      %add3A_98 = arith.addi %mul3A_96, %add3A_97 : i32
      %get3A_99 = arith.index_cast %add3A_98 : i32 to index
      %get3A_100 = memref.load %arg0[%get3A_99] : memref<512xf32, #tpu.memory_space<smem>>
      %mul3A_101 = arith.constant 4 : i32
      %mul3A_102 = arith.muli %scan3A_37, %mul3A_101 : i32
      %add3A_103 = arith.constant 3 : i32
      %add3A_104 = arith.addi %mul3A_102, %add3A_103 : i32
      %get3A_105 = arith.index_cast %add3A_104 : i32 to index
      %get3A_106 = memref.load %arg1[%get3A_105] : memref<512xf32, #tpu.memory_space<smem>>
      %mul3A_107 = arith.mulf %get3A_0, %get3A_106 : f32
      %sub3A_108 = vector.broadcast %mul3A_107 : f32 to vector<32x128xf32>
      %sub3A_109 = arith.subf %mul3A_18, %sub3A_108 : vector<32x128xf32>
      %tanh3A_110 = math.tanh %sub3A_109 : vector<32x128xf32>
      %mul3A_111 = vector.broadcast %get3A_100 : f32 to vector<32x128xf32>
      %mul3A_112 = arith.mulf %mul3A_111, %tanh3A_110 : vector<32x128xf32>
      %add3A_113 = arith.addf %add3A_94, %mul3A_112 : vector<32x128xf32>
      scf.yield %add3A_113 : vector<32x128xf32>
    }
    %scan3A_24 = arith.constant 128 : i32
    %swap3A = arith.constant 0 : index
    %swap3A_25 = arith.constant 0 : index
    %swap3A_26 = vector.load %arg3[%swap3A, %swap3A_25] : memref<40x128xf32, #tpu.memory_space<vmem>>, vector<32x128xf32>
    tpu.vector_store %arg3[%swap3A, %swap3A_25], %scan3A_23 {strides = array<i32>} : memref<40x128xf32, #tpu.memory_space<vmem>>, vector<32x128xf32>,
    %iota3A_27 = tpu.iota {dimensions = array<i32: 0>} : vector<8x128xi32>
    %eq3A = arith.constant 0 : i32
    %eq3A_28 = vector.broadcast %eq3A : i32 to vector<8x128xi32>
    %eq3A_29 = arith.cmpi eq, %iota3A_27, %eq3A_28 : vector<8x128xi32>
    %div3A_30 = arith.constant 1.000000e+00 : f32
    %div3A_31 = arith.divf %div3A_30, %div3A_8 : f32
    %broadcast_in_dim3A_32 = vector.broadcast %sub3A : f32 to vector<8x128xf32>
    %broadcast_in_dim3A_33 = vector.broadcast %div3A_31 : f32 to vector<8x128xf32>
    %select_n3A = arith.select %eq3A_29, %broadcast_in_dim3A_32, %broadcast_in_dim3A_33 : vector<8x128xi1>, vector<8x128xf32>
    %swap3A_34 = arith.constant 32 : index
    %swap3A_35 = arith.constant 0 : index
    %swap3A_36 = vector.load %arg3[%swap3A_34, %swap3A_35] : memref<40x128xf32, #tpu.memory_space<vmem>>, vector<8x128xf32>
    tpu.vector_store %arg3[%swap3A_34, %swap3A_35], %select_n3A {strides = array<i32>} : memref<40x128xf32, #tpu.memory_space<vmem>>, vector<8x128xf32>,
    return
  }
}

</mosaic_0001>

<sc_bundles>
// kernel: kernel.4.cloned.1.call-start
scs
__scs_entry_jumppad:
0x0: {  	(pc) =	sbr.rel $0x88, $3  }
0x1: {  	(tag) =	ssettag $0x0;
	lr =	simm.s32 $0x1  }
0x2: {  	[smem:$0x3F9D] =	sst lr;
	_ =	strace $0xD0000000  }
0x3: {  	_ = 	snop  }
0x4: {  	_ = 	snop  }
0x5: {  	_ = 	snop  }
0x6: {  	_ = 	snop  }
0x7: {  	_ = 	snop  }
__scs_overlays_trampoline_lowered:
0x8: {  	[smem:$0x3FAC] =	sst s0  }
0x9: {  	[smem:$0x3FAD] =	sst s1  }
0xa: {  	[smem:$0x3FAE] =	sst s2  }
0xb: {  	[smem:$0x3FAF] =	sst s3  }
0xc: {  	[smem:$0x3FB0] =	sst s4  }
0xd: {  	[smem:$0x3FB1] =	sst s5  }
0xe: {  	[smem:$0x3FB2] =	sst s6  }
0xf: {  	[smem:$0x3FB3] =	sst s7  }
0x10: {  	[smem:$0x3FB4] =	sst s8  }
0x11: {  	[smem:$0x3FB5] =	sst s9;
	s0 =	simm.s32 @!p0 $0x0  }
0x12: {  	s1 =	sld [smem:$0x3F9B];
	s0 =	simm.s32 @p0 $0x1  }
0x13: {  	[smem:$0x3FB6] =	sst s0;
	s0 =	simm.s32 @!p1 $0x0  }
0x14: {  	s2 =	sld [smem:$0x3F9A];
	s0 =	simm.s32 @p1 $0x1  }
0x15: {  	[smem:$0x3FB7] =	sst s0;
	s0 =	simm.s32 @!p2 $0x0  }
0x16: {  	s3 =	sld [smem:$0x3FDB];
	s0 =	simm.s32 @p2 $0x1  }
0x17: {  	s4 =	simm.s32 $0x1BF5;
	[smem:$0x3FB9] =	sst s0  }
0x18: {  	s0 =	sld [smem:$0x3F9C];
	_ =	swait.ge [sflag:s4], $0x0  }
0x19: {  	s7 =	sld [smem:$0x3F9D]  }
0x1a: {  	s8 =	sadd.s32 $0xFFFFE003, lr  }
0x1b: {  	s9 =	sadd.s32 $0xFFFFFEF7, lr;
	s5 =	simm.s32 $0xFFFFFFFF;
	p2 =	slt.u32 s8, $0xFFFFF086  }
0x1c: {  	p1 =	slt.u32 s9, $0xF7A;
	s5 =	simm.s32 @!p2 $0x0  }
0x1d: {  	s5 =	simm.s32 @p1 $0x1;
	p0 =	seq.s32 s7, s2  }
0x1e: {  	s7 =	smul.u32 @!p0 $0xF7A, s2;
	p2 =	seq.s32 @!p0 s5, $0x0  }
0x1f: {  	s9 =	smul.u32 $0xF7A, s1;
	s8 =	simm.s32 @!p0 $0x1BF5;
	p2 =	por !p2, p0  }
0x20: {  	[sflag:s8] =	ssyncset.s32 @!p0 $0xFFFFF086;
	s6 =	sadd.s32 @!p0 s3, s7;
	s7 =	simm.s32 @!p0 $0x108  }
0x21: {  	s3 =	sadd.s32 s3, s9;
	s6 =	sadd.s32 @!p0 $0x88, s6;
	s7 =	simm.s32 @p2 $0x1082  }
0x22: {  	[simem:s7], [sflag:s8] =	dma.local @!p0 [hbm:s6], $0xF7A  }
0x23: {  	s9 =	sor.u32 $0xD0000000, s2;
	s6 =	simm.s32 $0x108;
	_ =	swait.ge @!p0 [sflag:s8], $0x0  }
0x24: {  	s3 =	sadd.s32 $0x88, s3;
	s6 =	simm.s32 @!p1 $0x1082;
	[sflag:s4] =	ssyncset.s32 $0xFFFFF086  }
0x25: {  	[simem:s6], [sflag:s4] =	dma.local [hbm:s3], $0xF7A  }
0x26: {  	[smem:$0x3F9D] =	sst s1;
	(tag) =	ssettag s2;
	_ =	strace s9  }
0x27: {  	s1 =	sld [smem:$0x3FAD]  }
0x28: {  	s2 =	sld [smem:$0x3FAE]  }
0x29: {  	s4 =	sld [smem:$0x3FB0]  }
0x2a: {  	p0 =	seq.s32 s5, $0x0;
	s5 =	sld [smem:$0x3FB1]  }
0x2b: {  	s6 =	sld [smem:$0x3FB2]  }
0x2c: {  	s7 =	sld [smem:$0x3FB3]  }
0x2d: {  	s3 =	simm.s32 $0x108;
	s8 =	sld [smem:$0x3FB4]  }
0x2e: {  	s3 =	simm.s32 @!p0 $0x1082;
	s9 =	sld [smem:$0x3FB5]  }
0x2f: {  	lr =	sadd.s32 s0, s3;
	s0 =	sld [smem:$0x3FAC]  }
0x30: {  	s3 =	sld [smem:$0x3FAF]  }
0x31: {  	[smem:$0x3FB8] =	sst s10  }
0x32: {  	s10 =	sld [smem:$0x3FB6];
	_ =	sdelay $0x3  }
0x33: {  	p0 =	seq.s32 s10, $0x1;
	s10 =	sld [smem:$0x3FB8];
	_ =	sdelay $0x3  }
0x34: {  	[smem:$0x3FB8] =	sst s10  }
0x35: {  	s10 =	sld [smem:$0x3FB7];
	_ =	sdelay $0x3  }
0x36: {  	p1 =	seq.s32 s10, $0x1;
	s10 =	sld [smem:$0x3FB8];
	_ =	sdelay $0x3  }
0x37: {  	[smem:$0x3FB8] =	sst s10  }
0x38: {  	s10 =	sld [smem:$0x3FB9]  }
0x39: {  	_ = 	snop;
	(pc) =	sbr.ind lr, $3  }
0x3a: {  	_ = 	snop  }
0x3b: {  	_ = 	snop  }
0x3c: {  	p2 =	seq.s32 s10, $0x1;
	s10 =	sld [smem:$0x3FB8]  }
0x3d: {  	_ =	shalt  }
0x3e: {  	_ =	shalt  }
0x3f: {  	_ =	shalt  }
0x40: {  	_ =	shalt  }
0x41: {  	_ =	shalt  }
0x42: {  	_ =	shalt  }
0x43: {  	_ =	shalt  }
0x44: {  	_ =	shalt  }
0x45: {  	_ =	shalt  }
0x46: {  	_ =	shalt  }
0x47: {  	_ =	shalt  }
0x48: {  	_ =	shalt  }
0x49: {  	_ =	shalt  }
0x4a: {  	_ =	shalt  }
0x4b: {  	_ =	shalt  }
0x4c: {  	_ =	shalt  }
0x4d: {  	_ =	shalt  }
0x4e: {  	_ =	shalt  }
0x4f: {  	_ =	shalt  }
0x50: {  	_ =	shalt  }
0x51: {  	_ =	shalt  }
0x52: {  	_ =	shalt  }
0x53: {  	_ =	shalt  }
0x54: {  	_ =	shalt  }
0x55: {  	_ =	shalt  }
0x56: {  	_ =	shalt  }
0x57: {  	_ =	shalt  }
0x58: {  	_ =	shalt  }
0x59: {  	_ =	shalt  }
0x5a: {  	_ =	shalt  }
0x5b: {  	_ =	shalt  }
0x5c: {  	_ =	shalt  }
0x5d: {  	_ =	shalt  }
0x5e: {  	_ =	shalt  }
0x5f: {  	_ =	shalt  }
0x60: {  	_ =	shalt  }
0x61: {  	_ =	shalt  }
0x62: {  	_ =	shalt  }
0x63: {  	_ =	shalt  }
0x64: {  	_ =	shalt  }
0x65: {  	_ =	shalt  }
0x66: {  	_ =	shalt  }
0x67: {  	_ =	shalt  }
0x68: {  	_ =	shalt  }
0x69: {  	_ =	shalt  }
0x6a: {  	_ =	shalt  }
0x6b: {  	_ =	shalt  }
0x6c: {  	_ =	shalt  }
0x6d: {  	_ =	shalt  }
0x6e: {  	_ =	shalt  }
0x6f: {  	_ =	shalt  }
0x70: {  	_ =	shalt  }
0x71: {  	_ =	shalt  }
0x72: {  	_ =	shalt  }
0x73: {  	_ =	shalt  }
0x74: {  	_ =	shalt  }
0x75: {  	_ =	shalt  }
0x76: {  	_ =	shalt  }
0x77: {  	_ =	shalt  }
0x78: {  	_ =	shalt  }
0x79: {  	_ =	shalt  }
0x7a: {  	_ =	shalt  }
0x7b: {  	_ =	shalt  }
0x7c: {  	_ =	shalt  }
0x7d: {  	_ =	shalt  }
0x7e: {  	_ =	shalt  }
0x7f: {  	_ =	shalt  }
0x80: {  	_ =	shalt  }
0x81: {  	_ =	shalt  }
0x82: {  	_ =	shalt  }
0x83: {  	_ =	shalt  }
0x84: {  	_ =	shalt  }
0x85: {  	_ =	shalt  }
0x86: {  	_ =	shalt  }
0x87: {  	_ =	shalt  }
.Lfunc_end0:
.L_simem_size_0:
called_computation_lowered:
.L_overlay_start_0:
0x88: {  	s2 =	sld [smem:$0x3FD9]  }
0x89: {  	s3 =	sld [smem:$0x3FFE];
	_ =	sdelay $0x1  }
0x8a: {  	s1 =	srdreg.scid  }
0x8b: {  	s0 =	sand.u32 $0x1, s1  }
0x8c: {  	s17 =	sshll.u32 s0, $0xA;
	s2 =	sadd.s32 s3, s2  }
0x8d: {  	s2 =	sadd.s32 s2, s17  }
0x8e: {  	[smem:$0x3FC4] =	sst s2  }
0x8f: {  	_ = 	snop  }
0x90: {  	s2 =	sld [smem:$0x3FD0];
	(tm) =	ssettm $0x1  }
0x91: {  	s18 =	sld [smem:$0x3FFB];
	_ =	sdelay $0x3  }
0x92: {  	_ =	strace s18  }
0x93: {  	s3 =	sld [smem:$0x3FFC];
	_ =	sdelay $0x3  }
0x94: {  	_ =	strace s3  }
0x95: {  	s3 =	sld [smem:$0x3FFD];
	_ =	sdelay $0x3  }
0x96: {  	_ =	strace s3  }
0x97: {  	_ =	strace $0x8FFFFFFF  }
0x98: {  	s19 =	sld [smem:$0x3FDB];
	_ =	sdelay $0x1  }
0x99: {  	s4 =	simm.s32 $_scs_section_size  }
0x9a: {  	s5 =	simm.s32 $_size__tile_overlayer_lowered;
	s6 =	simm.s32 $_tile_overlayer_lowered  }
0x9b: {  	s22 =	simm.s32 $0x1BFF;
	s21 =	sshll.u32 s6, $0x1;
	s3 =	sadd.s32 s4, s19  }
0x9c: {  	s7 =	simm.s32 $0x0;
	s20 =	sshll.u32 s5, $0x1;
	s5 =	sadd.s32 s21, s3  }
0x9d: {  	[timem:s7], [sflag:s22] =	dma.local [hbm:s5], s20  }
0x9e: {  	_ =	swait.ge [sflag:s22], s20  }
0x9f: {  	s4 =	ssub.s32 $0x0, s20;
	[sflag:s22] =	ssyncset.done $0x0  }
0xa0: {  	[sflag:s22] =	ssyncadd.s32 s4;
	_ =	sdelay $0x1  }
0xa1: {  	s23 =	simm.s32 $0x1B8B  }
0xa2: {  	_ =	swait.ge [sflag:s23], $0x1  }
0xa3: {  	[sflag:s23] =	ssyncset.done $0x0  }
0xa4: {  	s25 =	simm.s32 $0x1B8E;
	s24 =	sld [smem:$0x3FFE];
	[sflag:s23] =	ssyncadd.s32 $0xFFFFFFFF  }
0xa5: {  	s26 =	simm.s32 $execute0_lowered;
	[smem:$0x3FD2] =	sst s25  }
0xa6: {  	s5 =	sshll.u32 s26, $0x1;
	_ =	strace $0x80000046;
	[dreg:$0x1] =	wrdreg $0xFFFFFFFF  }
0xa7: {  	s28 =	simm.s32 $_size_execute0_lowered;
	s3 =	sadd.s32 s3, s5;
	[dreg:$0x0] =	wrdreg $0x0  }
0xa8: {  	s5 =	sshll.u32 s28, $0x1;
	[dreg:$0x2] =	wrdreg s3  }
0xa9: {  	[dreg:$0x3] =	wrdreg s5  }
0xaa: {  	[dreg:$0x4] =	wrdreg $0xC0  }
0xab: {  	_ =	task [dreg:s7], $0x5FFFF  }
0xac: {  	[dreg:$0x1] =	wrdreg $0xFFFFFFFF  }
0xad: {  	[dreg:$0x0] =	wrdreg $0x60  }
0xae: {  	[dreg:$0x2] =	wrdreg s2  }
0xaf: {  	[dreg:$0x3] =	wrdreg s24  }
0xb0: {  	[dreg:$0x4] =	wrdreg $0x9  }
0xb1: {  	_ =	task.clear_ibuf [dreg:s7], $0x5FFFF;
	_ =	strace $0x90000046  }
0xb2: {  	s29 =	simm.s32 $0x9;
	_ =	strace $0x80000048  }
0xb3: {  	_ =	swait.ge [sflag:s29], $0x1  }
0xb4: {  	[sflag:s29] =	ssyncadd.s32 $0xFFFFFFFF  }
0xb5: {  	_ =	strace $0x90000048  }
0xb6: {  	_ =	sfence  }
0xb7: {  	s30 =	sld [smem:$0x0];
	_ =	sdelay $0x2  }
0xb8: {  	s31 =	sshll.u32 s1, $0xD;
	s1 =	sshrl.u32 s1, $0x2  }
0xb9: {  	s3 =	sand.u32 $0x4000, s31;
	s1 =	sadd.s32 s1, s30  }
0xba: {  	s0 =	sor.u32 s3, s0;
	s1 =	sshll.u32 s1, $0x11  }
0xbb: {  	s0 =	sor.u32 s1, s0  }
0xbc: {  	s0 =	sadd.s32 $0x8F2B, s0  }
0xbd: {  	[sflag:s0] =	ssyncadd.remote.s32 $0x1  }
0xbe: {  	_ =	sfence.sel $0xFFFF  }
0xbf: {  	[dreg:$0x0] =	wrdreg $0xFFFFFFFF;
	(pc) =	sbr.abs _section_cstart, $3  }
0xc0: {  	[dreg:$0x1] =	wrdreg $0xFFFFFFFF  }
0xc1: {  	_ =	task.clear_ibuf [dreg:s7], $0x2FFFF;
	_ =	strace $0x9FFFFFFF  }
0xc2: {  	(tm) =	ssettm $0x7FFFFFFF  }
0xc3: {  	_ =	shalt  }
tec
execute0_lowered:
.L_overlay_start_1:
0x0: {  	(tag) =	ssettag $0x1  }
0x1: {  	s0 =	stileid.u32;
	s1 =	srdreg.scid  }
0x2: {  	s7 =	rddreg [dreg:$0x1];
	s9 =	simm.s32 $0x1000;
	s10 =	simm.s32 $0x1  }
0x3: {  	s11 =	simm.s32 $0xA000;
	s12 =	simm.s32 $0xA080;
	s2 =	sshll.u32 s0, $0x1  }
0x4: {  	s4 =	sand.u32 $0x1, s1;
	s30 =	sshrl.u32 s0, $0x1;
	s2 =	sand.u32 $0x2, s2  }
0x5: {  	s13 =	simm.s32 $0x5800;
	s5 =	smul.u32 $0x12000, s30;
	s3 =	sor.u32 s4, s2  }
0x6: {  	s14 =	simm.s32 $0x0;
	s1 =	rddreg [dreg:$0x2];
	s6 =	smul.u32 $0x4800, s3  }
0x7: {  	s2 =	rddreg [dreg:$0x0];
	s4 =	ssub.s32 $0x2, s4;
	s3 =	simm.s32 $0x0  }
0x8: {  	s31 =	sshrl.u32 s4, $0x1;
	[smem:$0x7FF] =	sst s3;
	s5 =	sadd.s32 s5, s6  }
0x9: {  	s8 =	ssub.s32 s4, s31;
	_ =	strace $0x80000047;
	s5 =	sshrl.u32 s5, $0x3  }
0xa: {  	s6 =	sadd.s32 $0x210, s2;
	s8 =	smax.u32 s8, $0x1;
	s7 =	sadd.s32 s5, s7  }
0xb: {  	s5 =	sadd.s32 $0x200, s2;
	s4 =	sadd.s32 $0xA00, s7;
	s7 =	sadd.s32 $0x12A00, s7  }
.LBB2_1:
0xc: {  	[tilespmem:s9], [sflag:$0x1] =	stream.linear.gather [hbm4b:s4+s3], $0x4800, $0x38;
	[tilespmem:$0xA100] =	vst v63  }
0xd: {  	_ =	swait.ge [sflag:s10], $0x4800  }
0xe: {  	[sflag:s10] =	ssyncset.done $0x0  }
0xf: {  	[sflag:s10] =	ssyncadd.s32 $0xFFFFB800  }
0x10: {  	[tilespmem:s3], [sflag:$0x1] =	stream.linear.gather [hbm4b:s2+s3], $0x1000, $0x38;
	[tilespmem:$0xA100] =	vst v63  }
0x11: {  	_ =	swait.ge [sflag:s10], $0x1000  }
0x12: {  	[sflag:s10] =	ssyncset.done $0x0  }
0x13: {  	[sflag:s10] =	ssyncadd.s32 $0xFFFFF000  }
0x14: {  	[tilespmem:s11], [sflag:$0x1] =	stream.linear.gather [hbm4b:s5+s3], $0x10, $0x38;
	[tilespmem:$0xA100] =	vst v63  }
0x15: {  	_ =	swait.ge [sflag:s10], $0x10  }
0x16: {  	[sflag:s10] =	ssyncset.done $0x0  }
0x17: {  	[sflag:s10] =	ssyncadd.s32 $0xFFFFFFF0  }
0x18: {  	[tilespmem:s12], [sflag:$0x1] =	stream.linear.gather [hbm4b:s6+s3], $0x10, $0x38;
	[tilespmem:$0xA100] =	vst v63  }
0x19: {  	_ =	swait.ge [sflag:s10], $0x10  }
0x1a: {  	[sflag:s10] =	ssyncset.done $0x0  }
0x1b: {  	[sflag:s10] =	ssyncadd.s32 $0xFFFFFFF0  }
0x1c: {  	v0 =	vld [tilespmem:$0xA000]  }
0x1d: {  	s15 =	simm.s32 $0x1080;
	v1 =	vld [tilespmem:$0xA080]  }
0x1e: {  	v2 =	vld [tilespmem:s15+$0x30]  }
0x1f: {  	v3 =	vld [tilespmem:s15+$0xFFFFFF90]  }
0x20: {  	v4 =	vld [tilespmem:s15+$0xFFFFFFA0]  }
0x21: {  	v5 =	vld [tilespmem:s15+$0xFFFFFFB0]  }
0x22: {  	v6 =	vld [tilespmem:s15+$0x0]  }
0x23: {  	v7 =	vld [tilespmem:s15+$0x10]  }
0x24: {  	v8 =	vld [tilespmem:s15+$0x20]  }
0x25: {  	v9 =	vld [tilespmem:s15+$0xFFFFFF80]  }
0x26: {  	v2 =	vsub.f32 v2, v0;
	v3 =	vsub.f32 v3, v0  }
0x27: {  	v4 =	vsub.f32 v4, v0;
	v5 =	vsub.f32 v5, v0  }
0x28: {  	v6 =	vsub.f32 v6, v0;
	v7 =	vsub.f32 v7, v0;
	v2 =	vmul.f32 v2, v1  }
0x29: {  	v8 =	vsub.f32 v8, v0;
	v3 =	vmul.f32 v3, v1;
	v4 =	vmul.f32 v4, v1  }
0x2a: {  	v9 =	vsub.f32 v9, v0;
	v5 =	vmul.f32 v5, v1;
	v6 =	vmul.f32 v6, v1  }
0x2b: {  	v7 =	vmul.f32 v7, v1;
	v8 =	vmul.f32 v8, v1  }
0x2c: {  	v9 =	vmul.f32 v9, v1;
	v2 =	vmax.f32 v2, $0.0e+00;
	v3 =	vmax.f32 v3, $0.0e+00  }
0x2d: {  	v4 =	vmax.f32 v4, $0.0e+00;
	v5 =	vmax.f32 v5, $0.0e+00;
	v6 =	vmax.f32 v6, $0.0e+00  }
0x2e: {  	v7 =	vmax.f32 v7, $0.0e+00;
	v9 =	vmax.f32 v9, $0.0e+00;
	v8 =	vmax.f32 v8, $0.0e+00  }
0x2f: {  	v2 =	vmin.f32 v2, $4.095000000e+03;
	v9 =	vmin.f32 v9, $4.095000000e+03;
	v12 =	vmin.f32 v3, $4.095000000e+03  }
0x30: {  	v4 =	vmin.f32 v4, $4.095000000e+03;
	v5 =	vmin.f32 v5, $4.095000000e+03;
	v10 =	vtrunc.f32 v2  }
0x31: {  	v6 =	vmin.f32 v6, $4.095000000e+03;
	v7 =	vmin.f32 v7, $4.095000000e+03;
	v10 =	vcvt.f32.s32 v10  }
0x32: {  	v18 =	vmin.f32 v8, $4.095000000e+03;
	v3 =	vtrunc.f32 v9;
	v13 =	vtrunc.f32 v12  }
0x33: {  	v14 =	vtrunc.f32 v4;
	v13 =	vcvt.f32.s32 v13;
	vm0 =	vlt.s32 v10, $0xFFE  }
0x34: {  	v15 =	vtrunc.f32 v5;
	v17 =	vtrunc.f32 v6;
	v10 =	vnsel vm0, $0xFFE, v10  }
0x35: {  	v3 =	vcvt.f32.s32 v3;
	vm1 =	vlt.s32 v13, $0xFFE;
	v11 =	vadd.s32 $0x1, v10  }
0x36: {  	v8 =	vtrunc.f32 v7;
	v14 =	vcvt.f32.s32 v14;
	v13 =	vnsel vm1, $0xFFE, v13  }
0x37: {  	v15 =	vcvt.f32.s32 v15;
	v8 =	vcvt.f32.s32 v8;
	vm14 =	vlt.s32 v3, $0xFFE  }
0x38: {  	v19 =	vtrunc.f32 v18;
	v20 =	vnsel vm14, $0xFFE, v3;
	v3 =	vcvt.f32.s32 v17  }
0x39: {  	vm15 =	vlt.s32 v14, $0xFFE;
	vm8 =	vlt.s32 v15, $0xFFE;
	vm3 =	vlt.s32 v8, $0xFFE;
	v16 =	vld.idx.msk [tilespmem:v10+s3+$0x0], $0xffff  }
0x3a: {  	v23 =	vnsel vm8, $0xFFE, v15;
	v21 =	vadd.s32 $0x1, v13;
	vm2 =	vlt.s32 v3, $0xFFE;
	v11 =	vld.idx.msk [tilespmem:v11+s3+$0x0], $0xffff  }
0x3b: {  	v26 =	vcvt.s32.f32 v23;
	v24 =	vnsel vm2, $0xFFE, v3;
	v3 =	vld.idx.msk [tilespmem:v13+s3+$0x0], $0xffff;
	v13 =	vcvt.s32.f32 v13  }
0x3c: {  	s30 =	simm.s32 $0x1180;
	v17 =	vcvt.f32.s32 v19;
	v14 =	vnsel vm15, $0xFFE, v14;
	v25 =	vnsel vm3, $0xFFE, v8  }
0x3d: {  	v10 =	vcvt.s32.f32 v10;
	v13 =	vsub.f32 v12, v13;
	v12 =	vsub.f32 v5, v26;
	v5 =	vld [tilespmem:s30+$0xFFFFFFB0]  }
0x3e: {  	v28 =	vld [tilespmem:s30+$0xFFFFFF90];
	v19 =	vadd.s32 $0x1, v20;
	v8 =	vcvt.s32.f32 v20;
	v15 =	vcvt.s32.f32 v14  }
0x3f: {  	v22 =	vld.idx.msk [tilespmem:v20+s3+$0x0], $0xffff;
	v20 =	vadd.s32 $0x1, v24;
	v2 =	vsub.f32 v2, v10;
	v10 =	vsub.f32 v11, v16  }
0x40: {  	v27 =	vsub.f32 v9, v8;
	v8 =	vsub.f32 v4, v15;
	v4 =	vld [tilespmem:s30+$0xFFFFFFA0]  }
0x41: {  	v2 =	vmul.f32 v2, v10;
	v10 =	vld.idx.msk [tilespmem:v21+s3+$0x0], $0xffff  }
0x42: {  	v29 =	vcvt.s32.f32 v25;
	vm4 =	vlt.s32 v17, $0xFFE;
	v5 =	vsub.f32 v5, v0;
	v21 =	vld [tilespmem:s30+$0x30]  }
0x43: {  	v30 =	vadd.s32 $0x1, v25;
	v17 =	vnsel vm4, $0xFFE, v17;
	v9 =	vcvt.s32.f32 v24;
	v24 =	vld.idx.msk [tilespmem:v24+s3+$0x0], $0xffff  }
0x44: {  	v7 =	vsub.f32 v7, v29;
	v29 =	vadd.s32 $0x1, v17;
	v20 =	vld.idx.msk [tilespmem:v20+s3+$0x0], $0xffff;
	v5 =	vmul.f32 v5, v1  }
0x45: {  	v9 =	vsub.f32 v6, v9;
	v6 =	vcvt.s32.f32 v17;
	v11 =	vadd.f32 v2, v16;
	v2 =	vld.idx.msk [tilespmem:v19+s3+$0x0], $0xffff  }
0x46: {  	v31 =	vld [tilespmem:s30+$0x10];
	v16 =	vadd.s32 $0x1, v14;
	v19 =	vadd.s32 $0x1, v23;
	v5 =	vmax.f32 v5, $0.0e+00  }
0x47: {  	v26 =	vld [tilespmem:s30+$0x0];
	v32 =	vmin.f32 v5, $4.095000000e+03;
	v15 =	vsub.f32 v21, v0;
	v21 =	vsub.f32 v10, v3  }
0x48: {  	v10 =	vsub.f32 v18, v6;
	v6 =	vsub.f32 v28, v0;
	v18 =	vld [tilespmem:s30+$0x20];
	v34 =	vtrunc.f32 v32  }
0x49: {  	v4 =	vsub.f32 v4, v0;
	v14 =	vld.idx.msk [tilespmem:v14+s3+$0x0], $0xffff;
	v39 =	vsub.f32 v20, v24;
	v47 =	vcvt.f32.s32 v34  }
0x4a: {  	v23 =	vld.idx.msk [tilespmem:v23+s3+$0x0], $0xffff;
	v2 =	vsub.f32 v2, v22;
	v28 =	vmul.f32 v15, v1;
	v6 =	vmul.f32 v6, v1  }
0x4b: {  	v9 =	vmul.f32 v9, v39;
	v13 =	vmul.f32 v13, v21;
	v16 =	vld.idx.msk [tilespmem:v16+s3+$0x0], $0xffff;
	vm13 =	vlt.s32 v47, $0xFFE  }
0x4c: {  	v19 =	vld.idx.msk [tilespmem:v19+s3+$0x0], $0xffff;
	v2 =	vmul.f32 v27, v2;
	v21 =	vmax.f32 v28, $0.0e+00;
	v6 =	vmax.f32 v6, $0.0e+00  }
0x4d: {  	v25 =	vld.idx.msk [tilespmem:v25+s3+$0x0], $0xffff;
	v46 =	vadd.f32 v13, v3;
	v21 =	vmin.f32 v21, $4.095000000e+03;
	v18 =	vsub.f32 v18, v0  }
0x4e: {  	v27 =	vld [tilespmem:s30+$0xFFFFFF80];
	v6 =	vmin.f32 v6, $4.095000000e+03;
	v15 =	vadd.f32 v2, v22;
	v2 =	vmul.f32 v4, v1  }
0x4f: {  	v28 =	vld.idx.msk [tilespmem:v30+s3+$0x0], $0xffff;
	v4 =	vsub.f32 v26, v0;
	v26 =	vtrunc.f32 v21;
	v5 =	vtrunc.f32 v6  }
0x50: {  	v22 =	vsub.f32 v31, v0;
	v26 =	vcvt.f32.s32 v26;
	v18 =	vmul.f32 v18, v1  }
0x51: {  	v35 =	vsub.f32 v16, v14;
	v19 =	vsub.f32 v19, v23;
	v5 =	vcvt.f32.s32 v5  }
0x52: {  	v4 =	vmul.f32 v4, v1;
	v22 =	vmul.f32 v22, v1;
	v2 =	vmax.f32 v2, $0.0e+00  }
0x53: {  	v27 =	vsub.f32 v27, v0;
	vm9 =	vlt.s32 v26, $0xFFE;
	v18 =	vmax.f32 v18, $0.0e+00  }
0x54: {  	v31 =	vmin.f32 v2, $4.095000000e+03;
	v28 =	vsub.f32 v28, v25;
	vm11 =	vlt.s32 v5, $0xFFE  }
0x55: {  	v56 =	vmul.f32 v8, v35;
	v12 =	vmul.f32 v12, v19;
	v26 =	vnsel vm9, $0xFFE, v26  }
0x56: {  	v4 =	vmax.f32 v4, $0.0e+00;
	v22 =	vmax.f32 v22, $0.0e+00;
	v30 =	vadd.s32 $0x1, v26  }
0x57: {  	v18 =	vmin.f32 v18, $4.095000000e+03;
	v33 =	vtrunc.f32 v31;
	v5 =	vnsel vm11, $0xFFE, v5  }
0x58: {  	v27 =	vmul.f32 v27, v1;
	v4 =	vmin.f32 v4, $4.095000000e+03;
	v38 =	vtrunc.f32 v18  }
0x59: {  	v22 =	vmin.f32 v22, $4.095000000e+03;
	v20 =	vcvt.f32.s32 v33;
	v44 =	vcvt.s32.f32 v5  }
0x5a: {  	v16 =	vtrunc.f32 v4;
	v37 =	vtrunc.f32 v22;
	v27 =	vmax.f32 v27, $0.0e+00;
	v36 =	vld.idx.msk [tilespmem:v26+s3+$0x0], $0xffff  }
0x5b: {  	v49 =	vcvt.f32.s32 v38;
	v16 =	vcvt.f32.s32 v16;
	v27 =	vmin.f32 v27, $4.095000000e+03;
	v30 =	vld.idx.msk [tilespmem:v30+s3+$0x0], $0xffff  }
0x5c: {  	v52 =	vadd.s32 $0x1, v5;
	v48 =	vcvt.f32.s32 v37;
	v2 =	vtrunc.f32 v27  }
0x5d: {  	vm12 =	vlt.s32 v20, $0xFFE;
	v54 =	vsub.f32 v6, v44;
	v2 =	vcvt.f32.s32 v2  }
0x5e: {  	vm5 =	vlt.s32 v49, $0xFFE;
	v26 =	vcvt.s32.f32 v26;
	vm14 =	vlt.s32 v16, $0xFFE  }
0x5f: {  	v29 =	vld.idx.msk [tilespmem:v29+s3+$0x0], $0xffff;
	vm15 =	vlt.s32 v48, $0xFFE;
	v50 =	vnsel vm14, $0xFFE, v16;
	vm10 =	vlt.s32 v2, $0xFFE  }
0x60: {  	v21 =	vsub.f32 v21, v26;
	v26 =	vsub.f32 v30, v36;
	v30 =	vnsel vm10, $0xFFE, v2;
	v2 =	vld.idx.msk [tilespmem:v17+s3+$0x0], $0xffff  }
0x61: {  	v3 =	vcvt.s32.f32 v50;
	v17 =	vnsel vm12, $0xFFE, v20;
	v51 =	vadd.s32 $0x1, v30  }
0x62: {  	s31 =	simm.s32 $0x1280;
	v20 =	vmul.f32 v21, v26;
	v21 =	vnsel vm13, $0xFFE, v47;
	v26 =	vld.idx.msk [tilespmem:v5+s3+$0x0], $0xffff;
	v5 =	vcvt.s32.f32 v17  }
0x63: {  	v55 =	vld [tilespmem:s31+$0x30];
	v34 =	vnsel vm15, $0xFFE, v48;
	v16 =	vnsel vm5, $0xFFE, v49;
	v45 =	vcvt.s32.f32 v21  }
0x64: {  	v37 =	vld.idx.msk [tilespmem:v52+s3+$0x0], $0xffff;
	v4 =	vsub.f32 v4, v3;
	v5 =	vsub.f32 v31, v5;
	v31 =	vcvt.s32.f32 v16  }
0x65: {  	v41 =	vld.idx.msk [tilespmem:v30+s3+$0x0], $0xffff;
	v30 =	vcvt.s32.f32 v30;
	v29 =	vsub.f32 v29, v2;
	v6 =	vsub.f32 v32, v45  }
0x66: {  	v42 =	vadd.s32 $0x1, v50;
	v3 =	vsub.f32 v18, v31;
	v31 =	vadd.f32 v56, v14;
	v14 =	vld [tilespmem:s31+$0xFFFFFFB0]  }
0x67: {  	v32 =	vadd.f32 v12, v23;
	v12 =	vmul.f32 v7, v28;
	v13 =	vsub.f32 v27, v30;
	v27 =	vld.idx.msk [tilespmem:v51+s3+$0x0], $0xffff  }
0x68: {  	v57 =	vld [tilespmem:s31+$0xFFFFFF90];
	v43 =	vadd.s32 $0x1, v34;
	v53 =	vadd.s32 $0x1, v17;
	v30 =	vcvt.s32.f32 v34  }
0x69: {  	v7 =	vmul.f32 v10, v29;
	v10 =	vsub.f32 v55, v0;
	v35 =	vadd.f32 v12, v25;
	v12 =	vld [tilespmem:s31+$0xFFFFFF80]  }
0x6a: {  	v40 =	vadd.s32 $0x1, v21;
	v20 =	vadd.f32 v20, v36;
	v18 =	vld [tilespmem:s31+$0xFFFFFFA0];
	v23 =	vsub.f32 v37, v26  }
0x6b: {  	v8 =	vsub.f32 v22, v30;
	v30 =	vadd.s32 $0x1, v16;
	v10 =	vmul.f32 v10, v1  }
0x6c: {  	v19 =	vld [tilespmem:s31+$0x0];
	v37 =	vmul.f32 v54, v23;
	v14 =	vsub.f32 v14, v0;
	v22 =	vsub.f32 v27, v41  }
0x6d: {  	v10 =	vmax.f32 v10, $0.0e+00;
	v27 =	vadd.f32 v9, v24;
	v9 =	vld [tilespmem:s31+$0x10];
	v24 =	vsub.f32 v57, v0  }
0x6e: {  	v12 =	vsub.f32 v12, v0;
	v14 =	vmul.f32 v14, v1;
	v13 =	vmul.f32 v13, v22  }
0x6f: {  	s16 =	simm.s32 $0x5880;
	v28 =	vld [tilespmem:s31+$0x20];
	v18 =	vsub.f32 v18, v0;
	v23 =	vmin.f32 v10, $4.095000000e+03;
	v22 =	vmul.f32 v24, v1  }
0x70: {  	[tilespmem:s16+$0x30] =	vst v11;
	v11 =	vld.idx.msk [tilespmem:v16+s3+$0x0], $0xffff;
	v12 =	vmul.f32 v12, v1;
	v14 =	vmax.f32 v14, $0.0e+00;
	v38 =	vadd.f32 v13, v41  }
0x71: {  	v30 =	vld.idx.msk [tilespmem:v30+s3+$0x0], $0xffff;
	v13 =	vmul.f32 v18, v1;
	v18 =	vsub.f32 v19, v0;
	v19 =	vtrunc.f32 v23  }
0x72: {  	v29 =	vld.idx.msk [tilespmem:v42+s3+$0x0], $0xffff;
	v12 =	vmax.f32 v12, $0.0e+00;
	v9 =	vsub.f32 v9, v0;
	v19 =	vcvt.f32.s32 v19  }
0x73: {  	v42 =	vmin.f32 v12, $4.095000000e+03;
	v12 =	vld.idx.msk [tilespmem:v50+s3+$0x0], $0xffff;
	v50 =	vadd.f32 v37, v26;
	v10 =	vmul.f32 v18, v1  }
0x74: {  	v18 =	vsub.f32 v28, v0;
	v13 =	vmax.f32 v13, $0.0e+00;
	v24 =	vmul.f32 v9, v1  }
0x75: {  	v9 =	vld.idx.msk [tilespmem:v17+s3+$0x0], $0xffff;
	v17 =	vmax.f32 v22, $0.0e+00;
	vm8 =	vlt.s32 v19, $0xFFE;
	v45 =	vmin.f32 v13, $4.095000000e+03  }
0x76: {  	v13 =	vld.idx.msk [tilespmem:v21+s3+$0x0], $0xffff;
	v21 =	vtrunc.f32 v42;
	v36 =	vsub.f32 v30, v11;
	v18 =	vmul.f32 v18, v1  }
0x77: {  	v10 =	vmax.f32 v10, $0.0e+00;
	v28 =	vnsel vm8, $0xFFE, v19;
	v44 =	vmin.f32 v17, $4.095000000e+03  }
0x78: {  	v19 =	vmin.f32 v14, $4.095000000e+03;
	v61 =	vtrunc.f32 v45;
	v21 =	vcvt.f32.s32 v21  }
0x79: {  	v25 =	vld.idx.msk [tilespmem:v40+s3+$0x0], $0xffff;
	v24 =	vmax.f32 v24, $0.0e+00;
	v59 =	vadd.s32 $0x1, v28;
	v62 =	vcvt.s32.f32 v28  }
0x7a: {  	v22 =	vld.idx.msk [tilespmem:v53+s3+$0x0], $0xffff;
	v63 =	vtrunc.f32 v19;
	v58 =	vmax.f32 v18, $0.0e+00;
	v18 =	vmin.f32 v10, $4.095000000e+03  }
0x7b: {  	v17 =	vmin.f32 v24, $4.095000000e+03;
	v24 =	vtrunc.f32 v44;
	vm9 =	vlt.s32 v21, $0xFFE  }
0x7c: {  	v54 =	vcvt.f32.s32 v63;
	v14 =	vmin.f32 v58, $4.095000000e+03;
	v52 =	vcvt.f32.s32 v24  }
0x7d: {  	v10 =	vld.idx.msk [tilespmem:v34+s3+$0x0], $0xffff;
	v53 =	vtrunc.f32 v18;
	v34 =	vsub.f32 v23, v62;
	v47 =	vtrunc.f32 v17  }
0x7e: {  	v60 =	vld.idx.msk [tilespmem:v43+s3+$0x0], $0xffff;
	v48 =	vnsel vm9, $0xFFE, v21;
	v23 =	vsub.f32 v29, v12;
	v29 =	vcvt.f32.s32 v61  }
0x7f: {  	v22 =	vsub.f32 v22, v9;
	v24 =	vsub.f32 v25, v13;
	v21 =	vtrunc.f32 v14;
	v28 =	vld.idx.msk [tilespmem:v28+s3+$0x0], $0xffff  }
0x80: {  	v55 =	vcvt.f32.s32 v53;
	v56 =	vcvt.f32.s32 v47;
	vm12 =	vlt.s32 v54, $0xFFE;
	v39 =	vld.idx.msk [tilespmem:v59+s3+$0x0], $0xffff  }
0x81: {  	v62 =	vcvt.s32.f32 v48;
	vm10 =	vlt.s32 v52, $0xFFE;
	vm11 =	vlt.s32 v29, $0xFFE  }
0x82: {  	[tilespmem:s16+$0xFFFFFF90] =	vst v46;
	v57 =	vcvt.f32.s32 v21;
	v41 =	vnsel vm10, $0xFFE, v52;
	v58 =	vnsel vm11, $0xFFE, v29  }
0x83: {  	s15 =	simm.s32 $0x5980;
	[tilespmem:s16+$0xFFFFFF80] =	vst v15;
	vm13 =	vlt.s32 v55, $0xFFE;
	vm14 =	vlt.s32 v56, $0xFFE;
	v59 =	vadd.s32 $0x1, v48  }
0x84: {  	[tilespmem:s15+$0x30] =	vst v20;
	v37 =	vsub.f32 v42, v62;
	v25 =	vsub.f32 v60, v10;
	vm15 =	vlt.s32 v57, $0xFFE  }
0x85: {  	[tilespmem:s16+$0xFFFFFFB0] =	vst v32;
	v20 =	vnsel vm13, $0xFFE, v55;
	v61 =	vadd.s32 $0x1, v41;
	v21 =	vsub.f32 v39, v28  }
0x86: {  	[tilespmem:s16+$0xFFFFFFA0] =	vst v31;
	v16 =	vnsel vm14, $0xFFE, v56;
	v63 =	vcvt.s32.f32 v41;
	v49 =	vcvt.s32.f32 v58  }
0x87: {  	[tilespmem:s16+$0x10] =	vst v35;
	v15 =	vnsel vm15, $0xFFE, v57;
	v32 =	vadd.s32 $0x1, v20;
	v35 =	vld.idx.msk [tilespmem:v41+s3+$0x0], $0xffff;
	v29 =	vmul.f32 v34, v21  }
0x88: {  	[tilespmem:s16+$0x0] =	vst v27;
	v31 =	vadd.s32 $0x1, v16;
	v43 =	vcvt.s32.f32 v20;
	v42 =	vcvt.s32.f32 v16;
	v27 =	vld.idx.msk [tilespmem:v58+s3+$0x0], $0xffff  }
0x89: {  	[tilespmem:s15+$0xFFFFFF80] =	vst v38;
	v30 =	vsub.f32 v44, v63;
	v38 =	vld.idx.msk [tilespmem:v59+s3+$0x0], $0xffff;
	v21 =	vnsel vm12, $0xFFE, v54;
	v60 =	vadd.f32 v29, v28  }
0x8a: {  	s17 =	simm.s32 $0x5A80;
	[tilespmem:s15+$0xFFFFFF90] =	vst v50;
	v40 =	vcvt.s32.f32 v15;
	v39 =	vsub.f32 v45, v49;
	v26 =	vld.idx.msk [tilespmem:v61+s3+$0x0], $0xffff;
	v41 =	vcvt.s32.f32 v21  }
0x8b: {  	s18 =	simm.s32 $0x10;
	s19 =	simm.s32 $0x1380;
	v34 =	vadd.s32 $0x1, v58;
	v33 =	vadd.s32 $0x1, v21;
	v29 =	vld.idx.msk [tilespmem:v48+s3+$0x0], $0xffff;
	v28 =	vadd.s32 $0x1, v15;
	[tilespmem:s17+$0x30] =	vst v60  }
.LBB2_2:
0x8c: {  	v44 =	vld [tilespmem:s19+$0x30];
	s18 =	sadd.s32 $0x8, s18;
	v19 =	vsub.f32 v19, v41;
	v18 =	vsub.f32 v18, v43;
	v22 =	vmul.f32 v5, v22  }
0x8d: {  	v17 =	vsub.f32 v17, v42;
	v24 =	vmul.f32 v6, v24;
	v41 =	vld [tilespmem:s19+$0xFFFFFF90];
	p0 =	slt.u32 s18, $0x238;
	v14 =	vsub.f32 v14, v40;
	v5 =	vmovc v39  }
0x8e: {  	v39 =	vld [tilespmem:s19+$0xFFFFFFA0];
	v9 =	vadd.f32 v22, v9;
	v22 =	vmul.f32 v4, v23;
	v23 =	vmul.f32 v8, v25;
	v6 =	vmovc v19  }
0x8f: {  	v13 =	vadd.f32 v24, v13;
	v24 =	vadd.f32 v7, v2;
	v7 =	vmul.f32 v3, v36;
	v4 =	vmovc v18;
	v19 =	vld [tilespmem:s19+$0xFFFFFFB0]  }
0x90: {  	v8 =	vmovc v17;
	v25 =	vsub.f32 v38, v29;
	v3 =	vmov v14;
	v18 =	vld [tilespmem:s19+$0x0];
	[tilespmem:s15+$0xFFFFFFA0] =	vst v9;
	v9 =	vadd.f32 v22, v12  }
0x91: {  	v2 =	vmovc v11;
	v17 =	vsub.f32 v26, v35;
	v26 =	vmov v35;
	v12 =	vld [tilespmem:s19+$0x10];
	v14 =	vsub.f32 v44, v0;
	[tilespmem:s15+$0xFFFFFFB0] =	vst v13  }
0x92: {  	v22 =	vmul.f32 v37, v25;
	v11 =	vsub.f32 v41, v0;
	v13 =	vld [tilespmem:s19+$0x20];
	[tilespmem:s15+$0x0] =	vst v9;
	v9 =	vadd.f32 v23, v10  }
0x93: {  	v30 =	vmul.f32 v30, v17;
	v10 =	vld [tilespmem:s19+$0xFFFFFF80];
	v23 =	vsub.f32 v39, v0;
	v14 =	vmul.f32 v14, v1;
	[tilespmem:s16+$0x20] =	vst v24;
	s16 =	smov.u32 s15;
	s15 =	smov.u32 s17  }
0x94: {  	v11 =	vmul.f32 v11, v1;
	v17 =	vsub.f32 v19, v0;
	v19 =	vadd.f32 v22, v29;
	v22 =	vld.idx.msk [tilespmem:v34+s3+$0x0], $0xffff  }
0x95: {  	v23 =	vmul.f32 v23, v1;
	v18 =	vsub.f32 v18, v0;
	v14 =	vmax.f32 v14, $0.0e+00;
	v24 =	vld.idx.msk [tilespmem:v33+s3+$0x0], $0xffff;
	[tilespmem:s16+$0x10] =	vst v9  }
0x96: {  	v17 =	vmul.f32 v17, v1;
	v12 =	vsub.f32 v12, v0;
	v29 =	vmin.f32 v14, $4.095000000e+03;
	[tilespmem:s17+$0xFFFFFF80] =	vst v19;
	v25 =	vld.idx.msk [tilespmem:v32+s3+$0x0], $0xffff  }
0x97: {  	v9 =	vmovc v27;
	v14 =	vmul.f32 v18, v1;
	v13 =	vsub.f32 v13, v0;
	v18 =	vtrunc.f32 v29;
	v31 =	vld.idx.msk [tilespmem:v31+s3+$0x0], $0xffff  }
0x98: {  	v10 =	vsub.f32 v10, v0;
	v19 =	vmul.f32 v12, v1;
	v18 =	vcvt.f32.s32 v18;
	v27 =	vld.idx.msk [tilespmem:v28+s3+$0x0], $0xffff  }
0x99: {  	v23 =	vmax.f32 v23, $0.0e+00;
	v28 =	vmax.f32 v11, $0.0e+00;
	v11 =	vmul.f32 v13, v1;
	v13 =	vld.idx.msk [tilespmem:v21+s3+$0x0], $0xffff  }
0x9a: {  	v17 =	vmax.f32 v17, $0.0e+00;
	v21 =	vmul.f32 v10, v1;
	vm0 =	vlt.s32 v18, $0xFFE;
	v12 =	vld.idx.msk [tilespmem:v20+s3+$0x0], $0xffff  }
0x9b: {  	v14 =	vmax.f32 v14, $0.0e+00;
	v20 =	vmax.f32 v19, $0.0e+00;
	v32 =	vnsel vm0, $0xFFE, v18;
	v10 =	vld.idx.msk [tilespmem:v16+s3+$0x0], $0xffff  }
0x9c: {  	v16 =	vmax.f32 v21, $0.0e+00;
	v21 =	vmax.f32 v11, $0.0e+00;
	v33 =	vadd.s32 $0x1, v32;
	v11 =	vld.idx.msk [tilespmem:v15+s3+$0x0], $0xffff  }
0x9d: {  	v40 =	vmin.f32 v23, $4.095000000e+03;
	v39 =	vmin.f32 v28, $4.095000000e+03;
	v37 =	vmin.f32 v16, $4.095000000e+03  }
0x9e: {  	v19 =	vmin.f32 v17, $4.095000000e+03;
	v18 =	vmin.f32 v14, $4.095000000e+03;
	v17 =	vmin.f32 v20, $4.095000000e+03  }
0x9f: {  	v16 =	vtrunc.f32 v39;
	v14 =	vmin.f32 v21, $4.095000000e+03;
	v15 =	vtrunc.f32 v37  }
0xa0: {  	v22 =	vsub.f32 v22, v9;
	v20 =	vtrunc.f32 v40;
	v21 =	vtrunc.f32 v19;
	v28 =	vld.idx.msk [tilespmem:v32+s3+$0x0], $0xffff  }
0xa1: {  	v34 =	vtrunc.f32 v18;
	v35 =	vtrunc.f32 v17;
	v24 =	vsub.f32 v24, v13;
	v33 =	vld.idx.msk [tilespmem:v33+s3+$0x0], $0xffff  }
0xa2: {  	v36 =	vtrunc.f32 v14;
	v15 =	vcvt.f32.s32 v15;
	v23 =	vsub.f32 v25, v12  }
0xa3: {  	v20 =	vcvt.f32.s32 v20;
	v16 =	vcvt.f32.s32 v16;
	v25 =	vsub.f32 v31, v10  }
0xa4: {  	v21 =	vcvt.f32.s32 v21;
	v31 =	vcvt.f32.s32 v34;
	vm0 =	vlt.s32 v15, $0xFFE  }
0xa5: {  	vm1 =	vlt.s32 v16, $0xFFE;
	v34 =	vcvt.f32.s32 v35;
	v32 =	vcvt.s32.f32 v32  }
0xa6: {  	vm2 =	vlt.s32 v20, $0xFFE;
	vm3 =	vlt.s32 v21, $0xFFE;
	v35 =	vcvt.f32.s32 v36  }
0xa7: {  	vm4 =	vlt.s32 v31, $0xFFE;
	v29 =	vsub.f32 v29, v32;
	v32 =	vsub.f32 v33, v28  }
0xa8: {  	v36 =	vnsel vm0, $0xFFE, v15;
	vm0 =	vlt.s32 v34, $0xFFE;
	vm5 =	vlt.s32 v35, $0xFFE  }
0xa9: {  	v41 =	vnsel vm2, $0xFFE, v20;
	v38 =	vnsel vm1, $0xFFE, v16;
	v29 =	vmul.f32 v29, v32  }
0xaa: {  	v21 =	vnsel vm3, $0xFFE, v21;
	v20 =	vnsel vm4, $0xFFE, v31;
	v16 =	vnsel vm0, $0xFFE, v34  }
0xab: {  	v42 =	vadd.s32 $0x1, v36;
	v15 =	vnsel vm5, $0xFFE, v35;
	v35 =	vadd.f32 v29, v28  }
0xac: {  	s17 =	sadd.s32 $0x100, s17;
	v44 =	vadd.s32 $0x1, v38;
	v34 =	vadd.s32 $0x1, v41;
	v33 =	vadd.s32 $0x1, v21  }
.Ltmp0:
0xad: {  	v31 =	vadd.s32 $0x1, v16;
	v32 =	vadd.s32 $0x1, v20;
	v28 =	vadd.s32 $0x1, v15;
	v29 =	vld.idx.msk [tilespmem:v36+s3+$0x0], $0xffff;
	[tilespmem:s17+$0x30] =	vst v35;
	(pc) =	sbr.rel @p0 .LBB2_2-.Ltmp0, $4  }
0xae: {  	v45 =	vcvt.s32.f32 v38;
	v43 =	vcvt.s32.f32 v36;
	v36 =	vsub.f32 v27, v11;
	v35 =	vld.idx.msk [tilespmem:v38+s3+$0x0], $0xffff  }
0xaf: {  	v47 =	vadd.f32 v30, v26;
	v46 =	vcvt.s32.f32 v41;
	v27 =	vld.idx.msk [tilespmem:v41+s3+$0x0], $0xffff;
	v41 =	vcvt.s32.f32 v21  }
0xb0: {  	v37 =	vsub.f32 v37, v43;
	v43 =	vcvt.s32.f32 v20;
	v38 =	vld.idx.msk [tilespmem:v42+s3+$0x0], $0xffff;
	v42 =	vcvt.s32.f32 v16  }
0xb1: {  	s19 =	sadd.s32 $0x100, s19;
	v30 =	vsub.f32 v39, v45;
	v39 =	vsub.f32 v40, v46;
	v40 =	vcvt.s32.f32 v15;
	v26 =	vld.idx.msk [tilespmem:v44+s3+$0x0], $0xffff;
	[tilespmem:s15+$0xFFFFFF90] =	vst v47  }
0xb2: {  	_ =	sdelay $0x3  }
0xb3: {  	v0 =	vld.idx.msk [tilespmem:v34+s3+$0x0], $0xffff  }
0xb4: {  	v1 =	vld.idx.msk [tilespmem:v33+s3+$0x0], $0xffff  }
0xb5: {  	v32 =	vld.idx.msk [tilespmem:v32+s3+$0x0], $0xffff  }
0xb6: {  	v44 =	vld.idx.msk [tilespmem:v31+s3+$0x0], $0xffff  }
0xb7: {  	v19 =	vsub.f32 v19, v41;
	v21 =	vld.idx.msk [tilespmem:v21+s3+$0x0], $0xffff  }
0xb8: {  	v5 =	vmul.f32 v5, v22;
	v6 =	vmul.f32 v6, v24;
	v18 =	vsub.f32 v18, v43;
	v45 =	vld.idx.msk [tilespmem:v20+s3+$0x0], $0xffff  }
0xb9: {  	v17 =	vsub.f32 v17, v42;
	v4 =	vmul.f32 v4, v23;
	v2 =	vadd.f32 v7, v2;
	v47 =	vld.idx.msk [tilespmem:v28+s3+$0x0], $0xffff  }
0xba: {  	v8 =	vmul.f32 v8, v25;
	v49 =	vld.idx.msk [tilespmem:v16+s3+$0x0], $0xffff;
	v55 =	vsub.f32 v14, v40;
	v5 =	vadd.f32 v5, v9  }
0xbb: {  	v51 =	vld.idx.msk [tilespmem:v15+s3+$0x0], $0xffff;
	v6 =	vadd.f32 v6, v13;
	[tilespmem:s16+$0x20] =	vst v2;
	v46 =	vsub.f32 v38, v29  }
0xbc: {  	v3 =	vmul.f32 v3, v36;
	v4 =	vadd.f32 v4, v12;
	[tilespmem:s15+$0xFFFFFFA0] =	vst v5;
	v48 =	vsub.f32 v26, v35  }
0xbd: {  	v52 =	vadd.f32 v8, v10;
	[tilespmem:s15+$0xFFFFFFB0] =	vst v6;
	v50 =	vmul.f32 v37, v46;
	v0 =	vsub.f32 v0, v27  }
0xbe: {  	v3 =	vadd.f32 v3, v11;
	[tilespmem:s15+$0x0] =	vst v4;
	v1 =	vsub.f32 v1, v21;
	v5 =	vmul.f32 v30, v48  }
0xbf: {  	[tilespmem:s15+$0x10] =	vst v52;
	v54 =	vsub.f32 v32, v45;
	v53 =	vadd.f32 v50, v29;
	v0 =	vmul.f32 v39, v0  }
0xc0: {  	[tilespmem:s15+$0x20] =	vst v3;
	v57 =	vsub.f32 v44, v49;
	v1 =	vmul.f32 v19, v1;
	v56 =	vadd.f32 v5, v35  }
0xc1: {  	v59 =	vsub.f32 v47, v51;
	v58 =	vmul.f32 v18, v54;
	[tilespmem:s17+$0xFFFFFF80] =	vst v53;
	v0 =	vadd.f32 v0, v27  }
0xc2: {  	v2 =	vmul.f32 v17, v57;
	v1 =	vadd.f32 v1, v21;
	[tilespmem:s17+$0xFFFFFF90] =	vst v56  }
0xc3: {  	v61 =	vmul.f32 v55, v59;
	v60 =	vadd.f32 v58, v45;
	[tilespmem:s17+$0xFFFFFFA0] =	vst v0  }
0xc4: {  	v62 =	vadd.f32 v2, v49;
	[tilespmem:s17+$0xFFFFFFB0] =	vst v1  }
0xc5: {  	s14 =	sadd.s32 $0x1, s14;
	v63 =	vadd.f32 v61, v51;
	[tilespmem:s17+$0x0] =	vst v60  }
0xc6: {  	p0 =	sne.s32 s14, s8;
	[tilespmem:s17+$0x10] =	vst v62  }
.Ltmp1:
0xc7: {  	[tilespmem:s17+$0x20] =	vst v63;
	(pc) =	sbr.rel @p0 .LBB2_1-.Ltmp1, $4  }
0xc8: {  	[hbm4b:s7+s3] =	stream.linear.scatter [tilespmem:s13], [sflag:$0x1], $0x4800, $0x38;
	[tilespmem:$0xA100] =	vst v63  }
0xc9: {  	_ =	swait.ge [sflag:s10], $0x4800  }
0xca: {  	[sflag:s10] =	ssyncset.done $0x0  }
0xcb: {  	[sflag:s10] =	ssyncadd.s32 $0xFFFFB800  }
0xcc: {  	_ =	sfence.sel $0x180000  }
0xcd: {  	[bflag:$0x0] =	sbarrier.arrive $0xFFFF  }
0xce: {  	p0 =	sne.s32 s0, $0x0;
	_ =	strace $0x90000047  }
0xcf: {  	s0 =	sadd.s32 @!p0 $0x100000, s1;
	[bflag:$0x2] =	sbarrier.arrive $0xFFFF  }
0xd0: {  	[sflag:s0] =	ssyncadd.tile.s32 @!p0 $0x1;
	_ =	shalt  }
.Lfunc_end2:
_tile_overlayer_lowered:
.L_overlay_start_2:
0xd1: {  	(tag) =	ssettag $0x2  }
0xd2: {  	s0 =	rddreg [dreg:$0x0];
	s2 =	stileid.u32  }
0xd3: {  	s1 =	rddreg [dreg:$0x1];
	p0 =	sne.s32 s2, $0x0  }
0xd4: {  	s3 =	rddreg [dreg:$0x2];
	[bflag:$0x3] =	sbarrier.arrive $0xFFFF;
	s2 =	simm.s32 @!p0 $0x1C01  }
0xd5: {  	[timem:s3], [sflag:s2] =	dma.local @!p0 [hbm:s0], s1  }
0xd6: {  	s0 =	simm.s32 @!p0 $0x1  }
0xd7: {  	_ =	swait.ge @!p0 [sflag:s0], s1  }
0xd8: {  	s1 =	ssub.s32 @!p0 $0x0, s1;
	[sflag:s0] =	ssyncset.done @!p0 $0x0  }
0xd9: {  	[sflag:s0] =	ssyncadd.s32 @!p0 s1  }
0xda: {  	[bflag:$0x3] =	sbarrier.arrive $0xFFFF  }
0xdb: {  	_ =	shalt  }

</sc_bundles>
